<compile_context>
chip_gen: v7x
topology: tpu7x:2x2x1
jax: 0.10.2.dev20260603
libtpu: 0.0.44.dev20260713+nightly
codegen_flags: <defaults>
</compile_context>

<pallas_src>
import jax
import jax.numpy as jnp
from jax import lax
from jax.experimental import pallas as pl
from jax.experimental.pallas import tpu as pltpu
from jax.experimental.pallas import tpu_sc as plsc

N = 10000
K = 32
D = 128
TOTAL = N * K
NC = 2
NS = 16
NW = NC * NS
PER_W = TOTAL // NW
CH = 80
NCH = PER_W // CH
NBUF = 3
NGRP = -(-NCH // NBUF)
STAGE = 632


def _gather_body(table_hbm, idx_hbm, out_hbm, tab_sp, idx_v, rows_v, *sems):
    gsems = sems[:NBUF]
    osems = sems[NBUF:2 * NBUF]
    ssem = sems[2 * NBUF]
    sid = lax.axis_index("s")
    wid = sid * NC + lax.axis_index("c")
    base = wid * PER_W
    stage_descs = []
    for s in range(NS):
        lo = s * STAGE
        span = min(STAGE, N - lo)

        @pl.when(sid == s)
        def _():
            pltpu.make_async_copy(
                table_hbm.at[pl.ds(lo, span)], tab_sp.at[pl.ds(lo, span)], ssem
            ).start()

        stage_descs.append((lo, span))
    pltpu.sync_copy(idx_hbm.at[wid], idx_v)

    def g_desc(j, b, src):
        return pltpu.make_async_copy(
            src.at[idx_v.at[j]], rows_v.at[b], gsems[b]
        )

    def o_desc(j, b):
        return pltpu.make_async_copy(
            rows_v.at[b], out_hbm.at[pl.ds(base + j * CH, CH)], osems[b]
        )

    for b in range(NBUF):
        g_desc(b, b, table_hbm).start()
    for s in range(NS):
        lo, span = stage_descs[s]

        @pl.when(sid == s)
        def _():
            pltpu.make_async_copy(
                table_hbm.at[pl.ds(lo, span)], tab_sp.at[pl.ds(lo, span)], ssem
            ).wait()

    plsc.subcore_barrier()

    def outer(g, carry):
        j0 = g * NBUF
        for b in range(NBUF):
            j = j0 + b

            @pl.when(j < NCH)
            def _():
                @pl.when(j < NBUF)
                def _():
                    g_desc(j, b, table_hbm).wait()

                @pl.when(j >= NBUF)
                def _():
                    g_desc(j, b, tab_sp).wait()

                o_desc(j, b).start()

        for b in range(NBUF):
            nxt = j0 + b + NBUF

            @pl.when(nxt < NCH)
            def _():
                o_desc(j0 + b, b).wait()
                g_desc(nxt, b, tab_sp).start()
        return carry

    lax.fori_loop(0, NGRP, outer, 0)
    for j in range(NCH - NBUF, NCH):
        o_desc(j, j % NBUF).wait()


@jax.jit
def kernel(x_features, x_graph):
    table = x_features.reshape(N, D)
    idx = x_graph.reshape(NW, NCH, CH)
    mesh = plsc.VectorSubcoreMesh(
        core_axis_name="c", subcore_axis_name="s", num_cores=NC, num_subcores=NS
    )
    out = pl.kernel(
        _gather_body,
        out_type=jax.ShapeDtypeStruct((TOTAL, D), jnp.float32),
        mesh=mesh,
        scratch_types=(
            [
                pltpu.VMEM_SHARED((N, D), jnp.float32),
                pltpu.VMEM((NCH, CH), jnp.int32),
                pltpu.VMEM((NBUF, CH, D), jnp.float32),
            ]
            + [pltpu.SemaphoreType.DMA] * (2 * NBUF + 1)
        ),
    )(table, idx)
    return out.reshape(1, N, K, D)

# --- scband reference (transcript-rebuilt; emitter-appended) ---
"""Pipeline reference for scband-graph-expand-37709812859472 (READ-ONLY COPY).

The authoritative reference and input builder live on the scoring server;
editing this copy changes nothing except your own understanding.
"""

import jax, jax.numpy as jnp
import numpy as np


def setup_inputs(seed: int = 0) -> dict:
    key = jax.random.key(seed)
    k1, k2 = jax.random.split(key)
    # node features: [batch=1, N=10000, d=128]
    x_features = jax.random.normal(k1, (1, 10000, 128), dtype=jnp.float32)
    # neighbor index graph: [1, N=10000, K=32], values index axis=1 of x_features (0..N-1)
    x_graph = jax.random.randint(k2, (1, 10000, 32), 0, 10000, dtype=jnp.int32)
    return {"x_features": x_features, "x_graph": x_graph}


def reference(x_features, x_graph):
    # Faithful translation of Graph_expand.call with angular_axis=False:
    #   x_graph = tf.squeeze(x_graph)            -> drops the leading batch dim of size 1
    #   x_disk_features = tf.gather(x_features, x_graph, axis=1)
    g = jnp.squeeze(x_graph)  # [N, K]
    x_disk_features = jnp.take(x_features, g, axis=1)  # [1, N, K, d]
    return x_disk_features

if __name__ == "__main__":
    import jax
    _d = setup_inputs()
    print(jax.jit(kernel)(*tuple(_d.values())))

</pallas_src>

<mosaic_0001>
#map = affine_map<(d0, d1) -> (0, 0)>
#map1 = affine_map<(d0, d1) -> (0, 0, 0)>
module attributes {stable_mosaic.version = 14 : i64} {
  func.func @_gather_body(%arg0: i32, %arg1: i32, %arg2: memref<10000x128xf32, #tpu.memory_space<hbm>>, %arg3: memref<32x125x80xi32, #tpu.memory_space<hbm>>, %arg4: memref<320000x128xf32, #tpu.memory_space<hbm>>, %arg5: memref<10000x128xf32, #tpu.memory_space<vmem_shared>>, %arg6: memref<125x80xi32, #tpu.memory_space<vmem>>, %arg7: memref<3x80x128xf32, #tpu.memory_space<vmem>>, %arg8: memref<!tpu.dma_semaphore, #tpu.memory_space<semaphore_mem>>, %arg9: memref<!tpu.dma_semaphore, #tpu.memory_space<semaphore_mem>>, %arg10: memref<!tpu.dma_semaphore, #tpu.memory_space<semaphore_mem>>, %arg11: memref<!tpu.dma_semaphore, #tpu.memory_space<semaphore_mem>>, %arg12: memref<!tpu.dma_semaphore, #tpu.memory_space<semaphore_mem>>, %arg13: memref<!tpu.dma_semaphore, #tpu.memory_space<semaphore_mem>>, %arg14: memref<!tpu.dma_semaphore, #tpu.memory_space<semaphore_mem>>) attributes {dimension_semantics = [#tpu.dimension_semantics<core_parallel>, #tpu.dimension_semantics<subcore_parallel>], iteration_bounds = array<i64: 2, 16>, scalar_prefetch = 0 : i64, scratch_operands = 10 : i64, tpu.core_type = #tpu.core_type<sc_vector_subcore>, window_params = [{transform_indices = #map}, {transform_indices = #map1}, {transform_indices = #map}]} {
    %mul3A = arith.constant 2 : i32
    %mul3A_0 = arith.muli %arg1, %mul3A : i32
    %add3A = arith.addi %mul3A_0, %arg0 : i32
    %mul3A_1 = arith.constant 10000 : i32
    %mul3A_2 = arith.muli %add3A, %mul3A_1 : i32
    %eq3A = arith.constant 0 : i32
    %eq3A_3 = arith.cmpi eq, %arg1, %eq3A : i32
    %convert_element_type3A = arith.extui %eq3A_3 : i1 to i32
    %cond3A = arith.constant 0 : i32
    %cond3A_4 = arith.cmpi ne, %convert_element_type3A, %cond3A : i32
    scf.if %cond3A_4 {
      %dma_start3A_244 = arith.constant 0 : i32
      %dma_start3A_245 = arith.constant 0 : i32
      %dma_start3A_246 = tpu.memref_slice %arg5[%dma_start3A_244, %dma_start3A_245] : memref<10000x128xf32, #tpu.memory_space<vmem_shared>> -> memref<632x128xf32, #tpu.memory_space<vmem_shared>>
      %dma_start3A_247 = arith.constant 0 : i32
      %dma_start3A_248 = arith.constant 0 : i32
      %dma_start3A_249 = tpu.memref_slice %arg2[%dma_start3A_247, %dma_start3A_248] : memref<10000x128xf32, #tpu.memory_space<hbm>> -> memref<632x128xf32, #tpu.memory_space<hbm>>
      tpu.enqueue_dma source(%dma_start3A_249 : memref<632x128xf32, #tpu.memory_space<hbm>>) target(%dma_start3A_246 : memref<632x128xf32, #tpu.memory_space<vmem_shared>>) target_semaphore(%arg14 : memref<!tpu.dma_semaphore, #tpu.memory_space<semaphore_mem>>)
    } else {
    }
    %eq3A_5 = arith.constant 1 : i32
    %eq3A_6 = arith.cmpi eq, %arg1, %eq3A_5 : i32
    %convert_element_type3A_7 = arith.extui %eq3A_6 : i1 to i32
    %cond3A_8 = arith.constant 0 : i32
    %cond3A_9 = arith.cmpi ne, %convert_element_type3A_7, %cond3A_8 : i32
    scf.if %cond3A_9 {
      %dma_start3A_244 = arith.constant 632 : i32
      %dma_start3A_245 = arith.constant 0 : i32
      %dma_start3A_246 = tpu.memref_slice %arg5[%dma_start3A_244, %dma_start3A_245] : memref<10000x128xf32, #tpu.memory_space<vmem_shared>> -> memref<632x128xf32, #tpu.memory_space<vmem_shared>>
      %dma_start3A_247 = arith.constant 632 : i32
      %dma_start3A_248 = arith.constant 0 : i32
      %dma_start3A_249 = tpu.memref_slice %arg2[%dma_start3A_247, %dma_start3A_248] : memref<10000x128xf32, #tpu.memory_space<hbm>> -> memref<632x128xf32, #tpu.memory_space<hbm>>
      tpu.enqueue_dma source(%dma_start3A_249 : memref<632x128xf32, #tpu.memory_space<hbm>>) target(%dma_start3A_246 : memref<632x128xf32, #tpu.memory_space<vmem_shared>>) target_semaphore(%arg14 : memref<!tpu.dma_semaphore, #tpu.memory_space<semaphore_mem>>)
    } else {
    }
    %eq3A_10 = arith.constant 2 : i32
    %eq3A_11 = arith.cmpi eq, %arg1, %eq3A_10 : i32
    %convert_element_type3A_12 = arith.extui %eq3A_11 : i1 to i32
    %cond3A_13 = arith.constant 0 : i32
    %cond3A_14 = arith.cmpi ne, %convert_element_type3A_12, %cond3A_13 : i32
    scf.if %cond3A_14 {
      %dma_start3A_244 = arith.constant 1264 : i32
      %dma_start3A_245 = arith.constant 0 : i32
      %dma_start3A_246 = tpu.memref_slice %arg5[%dma_start3A_244, %dma_start3A_245] : memref<10000x128xf32, #tpu.memory_space<vmem_shared>> -> memref<632x128xf32, #tpu.memory_space<vmem_shared>>
      %dma_start3A_247 = arith.constant 1264 : i32
      %dma_start3A_248 = arith.constant 0 : i32
      %dma_start3A_249 = tpu.memref_slice %arg2[%dma_start3A_247, %dma_start3A_248] : memref<10000x128xf32, #tpu.memory_space<hbm>> -> memref<632x128xf32, #tpu.memory_space<hbm>>
      tpu.enqueue_dma source(%dma_start3A_249 : memref<632x128xf32, #tpu.memory_space<hbm>>) target(%dma_start3A_246 : memref<632x128xf32, #tpu.memory_space<vmem_shared>>) target_semaphore(%arg14 : memref<!tpu.dma_semaphore, #tpu.memory_space<semaphore_mem>>)
    } else {
    }
    %eq3A_15 = arith.constant 3 : i32
    %eq3A_16 = arith.cmpi eq, %arg1, %eq3A_15 : i32
    %convert_element_type3A_17 = arith.extui %eq3A_16 : i1 to i32
    %cond3A_18 = arith.constant 0 : i32
    %cond3A_19 = arith.cmpi ne, %convert_element_type3A_17, %cond3A_18 : i32
    scf.if %cond3A_19 {
      %dma_start3A_244 = arith.constant 1896 : i32
      %dma_start3A_245 = arith.constant 0 : i32
      %dma_start3A_246 = tpu.memref_slice %arg5[%dma_start3A_244, %dma_start3A_245] : memref<10000x128xf32, #tpu.memory_space<vmem_shared>> -> memref<632x128xf32, #tpu.memory_space<vmem_shared>>
      %dma_start3A_247 = arith.constant 1896 : i32
      %dma_start3A_248 = arith.constant 0 : i32
      %dma_start3A_249 = tpu.memref_slice %arg2[%dma_start3A_247, %dma_start3A_248] : memref<10000x128xf32, #tpu.memory_space<hbm>> -> memref<632x128xf32, #tpu.memory_space<hbm>>
      tpu.enqueue_dma source(%dma_start3A_249 : memref<632x128xf32, #tpu.memory_space<hbm>>) target(%dma_start3A_246 : memref<632x128xf32, #tpu.memory_space<vmem_shared>>) target_semaphore(%arg14 : memref<!tpu.dma_semaphore, #tpu.memory_space<semaphore_mem>>)
    } else {
    }
    %eq3A_20 = arith.constant 4 : i32
    %eq3A_21 = arith.cmpi eq, %arg1, %eq3A_20 : i32
    %convert_element_type3A_22 = arith.extui %eq3A_21 : i1 to i32
    %cond3A_23 = arith.constant 0 : i32
    %cond3A_24 = arith.cmpi ne, %convert_element_type3A_22, %cond3A_23 : i32
    scf.if %cond3A_24 {
      %dma_start3A_244 = arith.constant 2528 : i32
      %dma_start3A_245 = arith.constant 0 : i32
      %dma_start3A_246 = tpu.memref_slice %arg5[%dma_start3A_244, %dma_start3A_245] : memref<10000x128xf32, #tpu.memory_space<vmem_shared>> -> memref<632x128xf32, #tpu.memory_space<vmem_shared>>
      %dma_start3A_247 = arith.constant 2528 : i32
      %dma_start3A_248 = arith.constant 0 : i32
      %dma_start3A_249 = tpu.memref_slice %arg2[%dma_start3A_247, %dma_start3A_248] : memref<10000x128xf32, #tpu.memory_space<hbm>> -> memref<632x128xf32, #tpu.memory_space<hbm>>
      tpu.enqueue_dma source(%dma_start3A_249 : memref<632x128xf32, #tpu.memory_space<hbm>>) target(%dma_start3A_246 : memref<632x128xf32, #tpu.memory_space<vmem_shared>>) target_semaphore(%arg14 : memref<!tpu.dma_semaphore, #tpu.memory_space<semaphore_mem>>)
    } else {
    }
    %eq3A_25 = arith.constant 5 : i32
    %eq3A_26 = arith.cmpi eq, %arg1, %eq3A_25 : i32
    %convert_element_type3A_27 = arith.extui %eq3A_26 : i1 to i32
    %cond3A_28 = arith.constant 0 : i32
    %cond3A_29 = arith.cmpi ne, %convert_element_type3A_27, %cond3A_28 : i32
    scf.if %cond3A_29 {
      %dma_start3A_244 = arith.constant 3160 : i32
      %dma_start3A_245 = arith.constant 0 : i32
      %dma_start3A_246 = tpu.memref_slice %arg5[%dma_start3A_244, %dma_start3A_245] : memref<10000x128xf32, #tpu.memory_space<vmem_shared>> -> memref<632x128xf32, #tpu.memory_space<vmem_shared>>
      %dma_start3A_247 = arith.constant 3160 : i32
      %dma_start3A_248 = arith.constant 0 : i32
      %dma_start3A_249 = tpu.memref_slice %arg2[%dma_start3A_247, %dma_start3A_248] : memref<10000x128xf32, #tpu.memory_space<hbm>> -> memref<632x128xf32, #tpu.memory_space<hbm>>
      tpu.enqueue_dma source(%dma_start3A_249 : memref<632x128xf32, #tpu.memory_space<hbm>>) target(%dma_start3A_246 : memref<632x128xf32, #tpu.memory_space<vmem_shared>>) target_semaphore(%arg14 : memref<!tpu.dma_semaphore, #tpu.memory_space<semaphore_mem>>)
    } else {
    }
    %eq3A_30 = arith.constant 6 : i32
    %eq3A_31 = arith.cmpi eq, %arg1, %eq3A_30 : i32
    %convert_element_type3A_32 = arith.extui %eq3A_31 : i1 to i32
    %cond3A_33 = arith.constant 0 : i32
    %cond3A_34 = arith.cmpi ne, %convert_element_type3A_32, %cond3A_33 : i32
    scf.if %cond3A_34 {
      %dma_start3A_244 = arith.constant 3792 : i32
      %dma_start3A_245 = arith.constant 0 : i32
      %dma_start3A_246 = tpu.memref_slice %arg5[%dma_start3A_244, %dma_start3A_245] : memref<10000x128xf32, #tpu.memory_space<vmem_shared>> -> memref<632x128xf32, #tpu.memory_space<vmem_shared>>
      %dma_start3A_247 = arith.constant 3792 : i32
      %dma_start3A_248 = arith.constant 0 : i32
      %dma_start3A_249 = tpu.memref_slice %arg2[%dma_start3A_247, %dma_start3A_248] : memref<10000x128xf32, #tpu.memory_space<hbm>> -> memref<632x128xf32, #tpu.memory_space<hbm>>
      tpu.enqueue_dma source(%dma_start3A_249 : memref<632x128xf32, #tpu.memory_space<hbm>>) target(%dma_start3A_246 : memref<632x128xf32, #tpu.memory_space<vmem_shared>>) target_semaphore(%arg14 : memref<!tpu.dma_semaphore, #tpu.memory_space<semaphore_mem>>)
    } else {
    }
    %eq3A_35 = arith.constant 7 : i32
    %eq3A_36 = arith.cmpi eq, %arg1, %eq3A_35 : i32
    %convert_element_type3A_37 = arith.extui %eq3A_36 : i1 to i32
    %cond3A_38 = arith.constant 0 : i32
    %cond3A_39 = arith.cmpi ne, %convert_element_type3A_37, %cond3A_38 : i32
    scf.if %cond3A_39 {
      %dma_start3A_244 = arith.constant 4424 : i32
      %dma_start3A_245 = arith.constant 0 : i32
      %dma_start3A_246 = tpu.memref_slice %arg5[%dma_start3A_244, %dma_start3A_245] : memref<10000x128xf32, #tpu.memory_space<vmem_shared>> -> memref<632x128xf32, #tpu.memory_space<vmem_shared>>
      %dma_start3A_247 = arith.constant 4424 : i32
      %dma_start3A_248 = arith.constant 0 : i32
      %dma_start3A_249 = tpu.memref_slice %arg2[%dma_start3A_247, %dma_start3A_248] : memref<10000x128xf32, #tpu.memory_space<hbm>> -> memref<632x128xf32, #tpu.memory_space<hbm>>
      tpu.enqueue_dma source(%dma_start3A_249 : memref<632x128xf32, #tpu.memory_space<hbm>>) target(%dma_start3A_246 : memref<632x128xf32, #tpu.memory_space<vmem_shared>>) target_semaphore(%arg14 : memref<!tpu.dma_semaphore, #tpu.memory_space<semaphore_mem>>)
    } else {
    }
    %eq3A_40 = arith.constant 8 : i32
    %eq3A_41 = arith.cmpi eq, %arg1, %eq3A_40 : i32
    %convert_element_type3A_42 = arith.extui %eq3A_41 : i1 to i32
    %cond3A_43 = arith.constant 0 : i32
    %cond3A_44 = arith.cmpi ne, %convert_element_type3A_42, %cond3A_43 : i32
    scf.if %cond3A_44 {
      %dma_start3A_244 = arith.constant 5056 : i32
      %dma_start3A_245 = arith.constant 0 : i32
      %dma_start3A_246 = tpu.memref_slice %arg5[%dma_start3A_244, %dma_start3A_245] : memref<10000x128xf32, #tpu.memory_space<vmem_shared>> -> memref<632x128xf32, #tpu.memory_space<vmem_shared>>
      %dma_start3A_247 = arith.constant 5056 : i32
      %dma_start3A_248 = arith.constant 0 : i32
      %dma_start3A_249 = tpu.memref_slice %arg2[%dma_start3A_247, %dma_start3A_248] : memref<10000x128xf32, #tpu.memory_space<hbm>> -> memref<632x128xf32, #tpu.memory_space<hbm>>
      tpu.enqueue_dma source(%dma_start3A_249 : memref<632x128xf32, #tpu.memory_space<hbm>>) target(%dma_start3A_246 : memref<632x128xf32, #tpu.memory_space<vmem_shared>>) target_semaphore(%arg14 : memref<!tpu.dma_semaphore, #tpu.memory_space<semaphore_mem>>)
    } else {
    }
    %eq3A_45 = arith.constant 9 : i32
    %eq3A_46 = arith.cmpi eq, %arg1, %eq3A_45 : i32
    %convert_element_type3A_47 = arith.extui %eq3A_46 : i1 to i32
    %cond3A_48 = arith.constant 0 : i32
    %cond3A_49 = arith.cmpi ne, %convert_element_type3A_47, %cond3A_48 : i32
    scf.if %cond3A_49 {
      %dma_start3A_244 = arith.constant 5688 : i32
      %dma_start3A_245 = arith.constant 0 : i32
      %dma_start3A_246 = tpu.memref_slice %arg5[%dma_start3A_244, %dma_start3A_245] : memref<10000x128xf32, #tpu.memory_space<vmem_shared>> -> memref<632x128xf32, #tpu.memory_space<vmem_shared>>
      %dma_start3A_247 = arith.constant 5688 : i32
      %dma_start3A_248 = arith.constant 0 : i32
      %dma_start3A_249 = tpu.memref_slice %arg2[%dma_start3A_247, %dma_start3A_248] : memref<10000x128xf32, #tpu.memory_space<hbm>> -> memref<632x128xf32, #tpu.memory_space<hbm>>
      tpu.enqueue_dma source(%dma_start3A_249 : memref<632x128xf32, #tpu.memory_space<hbm>>) target(%dma_start3A_246 : memref<632x128xf32, #tpu.memory_space<vmem_shared>>) target_semaphore(%arg14 : memref<!tpu.dma_semaphore, #tpu.memory_space<semaphore_mem>>)
    } else {
    }
    %eq3A_50 = arith.constant 10 : i32
    %eq3A_51 = arith.cmpi eq, %arg1, %eq3A_50 : i32
    %convert_element_type3A_52 = arith.extui %eq3A_51 : i1 to i32
    %cond3A_53 = arith.constant 0 : i32
    %cond3A_54 = arith.cmpi ne, %convert_element_type3A_52, %cond3A_53 : i32
    scf.if %cond3A_54 {
      %dma_start3A_244 = arith.constant 6320 : i32
      %dma_start3A_245 = arith.constant 0 : i32
      %dma_start3A_246 = tpu.memref_slice %arg5[%dma_start3A_244, %dma_start3A_245] : memref<10000x128xf32, #tpu.memory_space<vmem_shared>> -> memref<632x128xf32, #tpu.memory_space<vmem_shared>>
      %dma_start3A_247 = arith.constant 6320 : i32
      %dma_start3A_248 = arith.constant 0 : i32
      %dma_start3A_249 = tpu.memref_slice %arg2[%dma_start3A_247, %dma_start3A_248] : memref<10000x128xf32, #tpu.memory_space<hbm>> -> memref<632x128xf32, #tpu.memory_space<hbm>>
      tpu.enqueue_dma source(%dma_start3A_249 : memref<632x128xf32, #tpu.memory_space<hbm>>) target(%dma_start3A_246 : memref<632x128xf32, #tpu.memory_space<vmem_shared>>) target_semaphore(%arg14 : memref<!tpu.dma_semaphore, #tpu.memory_space<semaphore_mem>>)
    } else {
    }
    %eq3A_55 = arith.constant 11 : i32
    %eq3A_56 = arith.cmpi eq, %arg1, %eq3A_55 : i32
    %convert_element_type3A_57 = arith.extui %eq3A_56 : i1 to i32
    %cond3A_58 = arith.constant 0 : i32
    %cond3A_59 = arith.cmpi ne, %convert_element_type3A_57, %cond3A_58 : i32
    scf.if %cond3A_59 {
      %dma_start3A_244 = arith.constant 6952 : i32
      %dma_start3A_245 = arith.constant 0 : i32
      %dma_start3A_246 = tpu.memref_slice %arg5[%dma_start3A_244, %dma_start3A_245] : memref<10000x128xf32, #tpu.memory_space<vmem_shared>> -> memref<632x128xf32, #tpu.memory_space<vmem_shared>>
      %dma_start3A_247 = arith.constant 6952 : i32
      %dma_start3A_248 = arith.constant 0 : i32
      %dma_start3A_249 = tpu.memref_slice %arg2[%dma_start3A_247, %dma_start3A_248] : memref<10000x128xf32, #tpu.memory_space<hbm>> -> memref<632x128xf32, #tpu.memory_space<hbm>>
      tpu.enqueue_dma source(%dma_start3A_249 : memref<632x128xf32, #tpu.memory_space<hbm>>) target(%dma_start3A_246 : memref<632x128xf32, #tpu.memory_space<vmem_shared>>) target_semaphore(%arg14 : memref<!tpu.dma_semaphore, #tpu.memory_space<semaphore_mem>>)
    } else {
    }
    %eq3A_60 = arith.constant 12 : i32
    %eq3A_61 = arith.cmpi eq, %arg1, %eq3A_60 : i32
    %convert_element_type3A_62 = arith.extui %eq3A_61 : i1 to i32
    %cond3A_63 = arith.constant 0 : i32
    %cond3A_64 = arith.cmpi ne, %convert_element_type3A_62, %cond3A_63 : i32
    scf.if %cond3A_64 {
      %dma_start3A_244 = arith.constant 7584 : i32
      %dma_start3A_245 = arith.constant 0 : i32
      %dma_start3A_246 = tpu.memref_slice %arg5[%dma_start3A_244, %dma_start3A_245] : memref<10000x128xf32, #tpu.memory_space<vmem_shared>> -> memref<632x128xf32, #tpu.memory_space<vmem_shared>>
      %dma_start3A_247 = arith.constant 7584 : i32
      %dma_start3A_248 = arith.constant 0 : i32
      %dma_start3A_249 = tpu.memref_slice %arg2[%dma_start3A_247, %dma_start3A_248] : memref<10000x128xf32, #tpu.memory_space<hbm>> -> memref<632x128xf32, #tpu.memory_space<hbm>>
      tpu.enqueue_dma source(%dma_start3A_249 : memref<632x128xf32, #tpu.memory_space<hbm>>) target(%dma_start3A_246 : memref<632x128xf32, #tpu.memory_space<vmem_shared>>) target_semaphore(%arg14 : memref<!tpu.dma_semaphore, #tpu.memory_space<semaphore_mem>>)
    } else {
    }
    %eq3A_65 = arith.constant 13 : i32
    %eq3A_66 = arith.cmpi eq, %arg1, %eq3A_65 : i32
    %convert_element_type3A_67 = arith.extui %eq3A_66 : i1 to i32
    %cond3A_68 = arith.constant 0 : i32
    %cond3A_69 = arith.cmpi ne, %convert_element_type3A_67, %cond3A_68 : i32
    scf.if %cond3A_69 {
      %dma_start3A_244 = arith.constant 8216 : i32
      %dma_start3A_245 = arith.constant 0 : i32
      %dma_start3A_246 = tpu.memref_slice %arg5[%dma_start3A_244, %dma_start3A_245] : memref<10000x128xf32, #tpu.memory_space<vmem_shared>> -> memref<632x128xf32, #tpu.memory_space<vmem_shared>>
      %dma_start3A_247 = arith.constant 8216 : i32
      %dma_start3A_248 = arith.constant 0 : i32
      %dma_start3A_249 = tpu.memref_slice %arg2[%dma_start3A_247, %dma_start3A_248] : memref<10000x128xf32, #tpu.memory_space<hbm>> -> memref<632x128xf32, #tpu.memory_space<hbm>>
      tpu.enqueue_dma source(%dma_start3A_249 : memref<632x128xf32, #tpu.memory_space<hbm>>) target(%dma_start3A_246 : memref<632x128xf32, #tpu.memory_space<vmem_shared>>) target_semaphore(%arg14 : memref<!tpu.dma_semaphore, #tpu.memory_space<semaphore_mem>>)
    } else {
    }
    %eq3A_70 = arith.constant 14 : i32
    %eq3A_71 = arith.cmpi eq, %arg1, %eq3A_70 : i32
    %convert_element_type3A_72 = arith.extui %eq3A_71 : i1 to i32
    %cond3A_73 = arith.constant 0 : i32
    %cond3A_74 = arith.cmpi ne, %convert_element_type3A_72, %cond3A_73 : i32
    scf.if %cond3A_74 {
      %dma_start3A_244 = arith.constant 8848 : i32
      %dma_start3A_245 = arith.constant 0 : i32
      %dma_start3A_246 = tpu.memref_slice %arg5[%dma_start3A_244, %dma_start3A_245] : memref<10000x128xf32, #tpu.memory_space<vmem_shared>> -> memref<632x128xf32, #tpu.memory_space<vmem_shared>>
      %dma_start3A_247 = arith.constant 8848 : i32
      %dma_start3A_248 = arith.constant 0 : i32
      %dma_start3A_249 = tpu.memref_slice %arg2[%dma_start3A_247, %dma_start3A_248] : memref<10000x128xf32, #tpu.memory_space<hbm>> -> memref<632x128xf32, #tpu.memory_space<hbm>>
      tpu.enqueue_dma source(%dma_start3A_249 : memref<632x128xf32, #tpu.memory_space<hbm>>) target(%dma_start3A_246 : memref<632x128xf32, #tpu.memory_space<vmem_shared>>) target_semaphore(%arg14 : memref<!tpu.dma_semaphore, #tpu.memory_space<semaphore_mem>>)
    } else {
    }
    %eq3A_75 = arith.constant 15 : i32
    %eq3A_76 = arith.cmpi eq, %arg1, %eq3A_75 : i32
    %convert_element_type3A_77 = arith.extui %eq3A_76 : i1 to i32
    %cond3A_78 = arith.constant 0 : i32
    %cond3A_79 = arith.cmpi ne, %convert_element_type3A_77, %cond3A_78 : i32
    scf.if %cond3A_79 {
      %dma_start3A_244 = arith.constant 9480 : i32
      %dma_start3A_245 = arith.constant 0 : i32
      %dma_start3A_246 = tpu.memref_slice %arg5[%dma_start3A_244, %dma_start3A_245] : memref<10000x128xf32, #tpu.memory_space<vmem_shared>> -> memref<520x128xf32, #tpu.memory_space<vmem_shared>>
      %dma_start3A_247 = arith.constant 9480 : i32
      %dma_start3A_248 = arith.constant 0 : i32
      %dma_start3A_249 = tpu.memref_slice %arg2[%dma_start3A_247, %dma_start3A_248] : memref<10000x128xf32, #tpu.memory_space<hbm>> -> memref<520x128xf32, #tpu.memory_space<hbm>>
      tpu.enqueue_dma source(%dma_start3A_249 : memref<520x128xf32, #tpu.memory_space<hbm>>) target(%dma_start3A_246 : memref<520x128xf32, #tpu.memory_space<vmem_shared>>) target_semaphore(%arg14 : memref<!tpu.dma_semaphore, #tpu.memory_space<semaphore_mem>>)
    } else {
    }
    "tpu.region"() ({
      %run_scoped3A = tpu.sem_alloc : memref<!tpu.dma_semaphore, #tpu.memory_space<semaphore_mem>>
      %dma_start3A_244 = arith.constant 0 : i32
      %dma_start3A_245 = arith.constant 0 : i32
      %dma_start3A_246 = tpu.memref_slice %arg3[%add3A, %dma_start3A_244, %dma_start3A_245] : memref<32x125x80xi32, #tpu.memory_space<hbm>> -> memref<1x125x80xi32, #tpu.memory_space<hbm>>
      %dma_start3A_247 = tpu.memref_squeeze %dma_start3A_246 : memref<1x125x80xi32, #tpu.memory_space<hbm>> -> memref<125x80xi32, #tpu.memory_space<hbm>>
      %dma_start3A_248 = arith.constant 0 : i32
      %dma_start3A_249 = arith.constant 0 : i32
      %dma_start3A_250 = tpu.memref_slice %arg3[%add3A, %dma_start3A_248, %dma_start3A_249] : memref<32x125x80xi32, #tpu.memory_space<hbm>> -> memref<1x125x80xi32, #tpu.memory_space<hbm>>
      %dma_start3A_251 = tpu.memref_squeeze %dma_start3A_250 : memref<1x125x80xi32, #tpu.memory_space<hbm>> -> memref<125x80xi32, #tpu.memory_space<hbm>>
      tpu.enqueue_dma source(%dma_start3A_251 : memref<125x80xi32, #tpu.memory_space<hbm>>) target(%arg6 : memref<125x80xi32, #tpu.memory_space<vmem>>) target_semaphore(%run_scoped3A : memref<!tpu.dma_semaphore, #tpu.memory_space<semaphore_mem>>)
      %dma_wait3A_252 = arith.constant 0 : i32
      %dma_wait3A_253 = arith.constant 0 : i32
      %dma_wait3A_254 = tpu.memref_slice %arg3[%add3A, %dma_wait3A_252, %dma_wait3A_253] : memref<32x125x80xi32, #tpu.memory_space<hbm>> -> memref<1x125x80xi32, #tpu.memory_space<hbm>>
      %dma_wait3A_255 = tpu.memref_squeeze %dma_wait3A_254 : memref<1x125x80xi32, #tpu.memory_space<hbm>> -> memref<125x80xi32, #tpu.memory_space<hbm>>
      %dma_wait3A_256 = arith.constant 0 : i32
      %dma_wait3A_257 = arith.constant 0 : i32
      %dma_wait3A_258 = tpu.memref_slice %arg3[%add3A, %dma_wait3A_256, %dma_wait3A_257] : memref<32x125x80xi32, #tpu.memory_space<hbm>> -> memref<1x125x80xi32, #tpu.memory_space<hbm>>
      %dma_wait3A_259 = tpu.memref_squeeze %dma_wait3A_258 : memref<1x125x80xi32, #tpu.memory_space<hbm>> -> memref<125x80xi32, #tpu.memory_space<hbm>>
      tpu.wait_dma2 semaphore(%run_scoped3A : memref<!tpu.dma_semaphore, #tpu.memory_space<semaphore_mem>>) src(%dma_wait3A_259 : memref<125x80xi32, #tpu.memory_space<hbm>>) dst(%arg6 : memref<125x80xi32, #tpu.memory_space<vmem>>)
      tpu.yield
    }) : () -> ()
    %dma_start3A = arith.constant 0 : i32
    %dma_start3A_80 = arith.constant 0 : i32
    %dma_start3A_81 = arith.constant 0 : i32
    %dma_start3A_82 = arith.constant 0 : i32
    %dma_start3A_83 = tpu.memref_slice %arg7[%dma_start3A_80, %dma_start3A_81, %dma_start3A_82] : memref<3x80x128xf32, #tpu.memory_space<vmem>> -> memref<1x80x128xf32, #tpu.memory_space<vmem>>
    %dma_start3A_84 = tpu.memref_squeeze %dma_start3A_83 : memref<1x80x128xf32, #tpu.memory_space<vmem>> -> memref<80x128xf32, #tpu.memory_space<vmem>>
    %dma_start3A_85 = arith.constant 0 : i32
    %dma_start3A_86 = tpu.memref_slice %arg6[%dma_start3A, %dma_start3A_85] : memref<125x80xi32, #tpu.memory_space<vmem>> -> memref<1x80xi32, #tpu.memory_space<vmem>>
    %dma_start3A_87 = tpu.memref_squeeze %dma_start3A_86 : memref<1x80xi32, #tpu.memory_space<vmem>> -> memref<80xi32, #tpu.memory_space<vmem>>
    %dma_start3A_88 = arith.constant 0 : i32
    %dma_start3A_89 = arith.constant 0 : i32
    %dma_start3A_90 = tpu.memref_slice %arg2[%dma_start3A_88, %dma_start3A_89] : memref<10000x128xf32, #tpu.memory_space<hbm>> -> memref<10000x128xf32, #tpu.memory_space<hbm>>
    tpu.enqueue_indirect_dma source(%dma_start3A_90 : memref<10000x128xf32, #tpu.memory_space<hbm>>) target(%dma_start3A_84 : memref<80x128xf32, #tpu.memory_space<vmem>>) offsets(%dma_start3A_87 : memref<80xi32, #tpu.memory_space<vmem>>) semaphore(%arg8 : memref<!tpu.dma_semaphore, #tpu.memory_space<semaphore_mem>>)
    %dma_start3A_91 = arith.constant 1 : i32
    %dma_start3A_92 = arith.constant 1 : i32
    %dma_start3A_93 = arith.constant 0 : i32
    %dma_start3A_94 = arith.constant 0 : i32
    %dma_start3A_95 = tpu.memref_slice %arg7[%dma_start3A_92, %dma_start3A_93, %dma_start3A_94] : memref<3x80x128xf32, #tpu.memory_space<vmem>> -> memref<1x80x128xf32, #tpu.memory_space<vmem>>
    %dma_start3A_96 = tpu.memref_squeeze %dma_start3A_95 : memref<1x80x128xf32, #tpu.memory_space<vmem>> -> memref<80x128xf32, #tpu.memory_space<vmem>>
    %dma_start3A_97 = arith.constant 0 : i32
    %dma_start3A_98 = tpu.memref_slice %arg6[%dma_start3A_91, %dma_start3A_97] : memref<125x80xi32, #tpu.memory_space<vmem>> -> memref<1x80xi32, #tpu.memory_space<vmem>>
    %dma_start3A_99 = tpu.memref_squeeze %dma_start3A_98 : memref<1x80xi32, #tpu.memory_space<vmem>> -> memref<80xi32, #tpu.memory_space<vmem>>
    %dma_start3A_100 = arith.constant 0 : i32
    %dma_start3A_101 = arith.constant 0 : i32
    %dma_start3A_102 = tpu.memref_slice %arg2[%dma_start3A_100, %dma_start3A_101] : memref<10000x128xf32, #tpu.memory_space<hbm>> -> memref<10000x128xf32, #tpu.memory_space<hbm>>
    tpu.enqueue_indirect_dma source(%dma_start3A_102 : memref<10000x128xf32, #tpu.memory_space<hbm>>) target(%dma_start3A_96 : memref<80x128xf32, #tpu.memory_space<vmem>>) offsets(%dma_start3A_99 : memref<80xi32, #tpu.memory_space<vmem>>) semaphore(%arg9 : memref<!tpu.dma_semaphore, #tpu.memory_space<semaphore_mem>>)
    %dma_start3A_103 = arith.constant 2 : i32
    %dma_start3A_104 = arith.constant 2 : i32
    %dma_start3A_105 = arith.constant 0 : i32
    %dma_start3A_106 = arith.constant 0 : i32
    %dma_start3A_107 = tpu.memref_slice %arg7[%dma_start3A_104, %dma_start3A_105, %dma_start3A_106] : memref<3x80x128xf32, #tpu.memory_space<vmem>> -> memref<1x80x128xf32, #tpu.memory_space<vmem>>
    %dma_start3A_108 = tpu.memref_squeeze %dma_start3A_107 : memref<1x80x128xf32, #tpu.memory_space<vmem>> -> memref<80x128xf32, #tpu.memory_space<vmem>>
    %dma_start3A_109 = arith.constant 0 : i32
    %dma_start3A_110 = tpu.memref_slice %arg6[%dma_start3A_103, %dma_start3A_109] : memref<125x80xi32, #tpu.memory_space<vmem>> -> memref<1x80xi32, #tpu.memory_space<vmem>>
    %dma_start3A_111 = tpu.memref_squeeze %dma_start3A_110 : memref<1x80xi32, #tpu.memory_space<vmem>> -> memref<80xi32, #tpu.memory_space<vmem>>
    %dma_start3A_112 = arith.constant 0 : i32
    %dma_start3A_113 = arith.constant 0 : i32
    %dma_start3A_114 = tpu.memref_slice %arg2[%dma_start3A_112, %dma_start3A_113] : memref<10000x128xf32, #tpu.memory_space<hbm>> -> memref<10000x128xf32, #tpu.memory_space<hbm>>
    tpu.enqueue_indirect_dma source(%dma_start3A_114 : memref<10000x128xf32, #tpu.memory_space<hbm>>) target(%dma_start3A_108 : memref<80x128xf32, #tpu.memory_space<vmem>>) offsets(%dma_start3A_111 : memref<80xi32, #tpu.memory_space<vmem>>) semaphore(%arg10 : memref<!tpu.dma_semaphore, #tpu.memory_space<semaphore_mem>>)
    %eq3A_115 = arith.constant 0 : i32
    %eq3A_116 = arith.cmpi eq, %arg1, %eq3A_115 : i32
    %convert_element_type3A_117 = arith.extui %eq3A_116 : i1 to i32
    %cond3A_118 = arith.constant 0 : i32
    %cond3A_119 = arith.cmpi ne, %convert_element_type3A_117, %cond3A_118 : i32
    scf.if %cond3A_119 {
      %dma_wait3A_244 = arith.constant 0 : i32
      %dma_wait3A_245 = arith.constant 0 : i32
      %dma_wait3A_246 = tpu.memref_slice %arg5[%dma_wait3A_244, %dma_wait3A_245] : memref<10000x128xf32, #tpu.memory_space<vmem_shared>> -> memref<632x128xf32, #tpu.memory_space<vmem_shared>>
      %dma_wait3A_247 = arith.constant 0 : i32
      %dma_wait3A_248 = arith.constant 0 : i32
      %dma_wait3A_249 = tpu.memref_slice %arg2[%dma_wait3A_247, %dma_wait3A_248] : memref<10000x128xf32, #tpu.memory_space<hbm>> -> memref<632x128xf32, #tpu.memory_space<hbm>>
      tpu.wait_dma2 semaphore(%arg14 : memref<!tpu.dma_semaphore, #tpu.memory_space<semaphore_mem>>) src(%dma_wait3A_249 : memref<632x128xf32, #tpu.memory_space<hbm>>) dst(%dma_wait3A_246 : memref<632x128xf32, #tpu.memory_space<vmem_shared>>)
    } else {
    }
    %eq3A_120 = arith.constant 1 : i32
    %eq3A_121 = arith.cmpi eq, %arg1, %eq3A_120 : i32
    %convert_element_type3A_122 = arith.extui %eq3A_121 : i1 to i32
    %cond3A_123 = arith.constant 0 : i32
    %cond3A_124 = arith.cmpi ne, %convert_element_type3A_122, %cond3A_123 : i32
    scf.if %cond3A_124 {
      %dma_wait3A_244 = arith.constant 632 : i32
      %dma_wait3A_245 = arith.constant 0 : i32
      %dma_wait3A_246 = tpu.memref_slice %arg5[%dma_wait3A_244, %dma_wait3A_245] : memref<10000x128xf32, #tpu.memory_space<vmem_shared>> -> memref<632x128xf32, #tpu.memory_space<vmem_shared>>
      %dma_wait3A_247 = arith.constant 632 : i32
      %dma_wait3A_248 = arith.constant 0 : i32
      %dma_wait3A_249 = tpu.memref_slice %arg2[%dma_wait3A_247, %dma_wait3A_248] : memref<10000x128xf32, #tpu.memory_space<hbm>> -> memref<632x128xf32, #tpu.memory_space<hbm>>
      tpu.wait_dma2 semaphore(%arg14 : memref<!tpu.dma_semaphore, #tpu.memory_space<semaphore_mem>>) src(%dma_wait3A_249 : memref<632x128xf32, #tpu.memory_space<hbm>>) dst(%dma_wait3A_246 : memref<632x128xf32, #tpu.memory_space<vmem_shared>>)
    } else {
    }
    %eq3A_125 = arith.constant 2 : i32
    %eq3A_126 = arith.cmpi eq, %arg1, %eq3A_125 : i32
    %convert_element_type3A_127 = arith.extui %eq3A_126 : i1 to i32
    %cond3A_128 = arith.constant 0 : i32
    %cond3A_129 = arith.cmpi ne, %convert_element_type3A_127, %cond3A_128 : i32
    scf.if %cond3A_129 {
      %dma_wait3A_244 = arith.constant 1264 : i32
      %dma_wait3A_245 = arith.constant 0 : i32
      %dma_wait3A_246 = tpu.memref_slice %arg5[%dma_wait3A_244, %dma_wait3A_245] : memref<10000x128xf32, #tpu.memory_space<vmem_shared>> -> memref<632x128xf32, #tpu.memory_space<vmem_shared>>
      %dma_wait3A_247 = arith.constant 1264 : i32
      %dma_wait3A_248 = arith.constant 0 : i32
      %dma_wait3A_249 = tpu.memref_slice %arg2[%dma_wait3A_247, %dma_wait3A_248] : memref<10000x128xf32, #tpu.memory_space<hbm>> -> memref<632x128xf32, #tpu.memory_space<hbm>>
      tpu.wait_dma2 semaphore(%arg14 : memref<!tpu.dma_semaphore, #tpu.memory_space<semaphore_mem>>) src(%dma_wait3A_249 : memref<632x128xf32, #tpu.memory_space<hbm>>) dst(%dma_wait3A_246 : memref<632x128xf32, #tpu.memory_space<vmem_shared>>)
    } else {
    }
    %eq3A_130 = arith.constant 3 : i32
    %eq3A_131 = arith.cmpi eq, %arg1, %eq3A_130 : i32
    %convert_element_type3A_132 = arith.extui %eq3A_131 : i1 to i32
    %cond3A_133 = arith.constant 0 : i32
    %cond3A_134 = arith.cmpi ne, %convert_element_type3A_132, %cond3A_133 : i32
    scf.if %cond3A_134 {
      %dma_wait3A_244 = arith.constant 1896 : i32
      %dma_wait3A_245 = arith.constant 0 : i32
      %dma_wait3A_246 = tpu.memref_slice %arg5[%dma_wait3A_244, %dma_wait3A_245] : memref<10000x128xf32, #tpu.memory_space<vmem_shared>> -> memref<632x128xf32, #tpu.memory_space<vmem_shared>>
      %dma_wait3A_247 = arith.constant 1896 : i32
      %dma_wait3A_248 = arith.constant 0 : i32
      %dma_wait3A_249 = tpu.memref_slice %arg2[%dma_wait3A_247, %dma_wait3A_248] : memref<10000x128xf32, #tpu.memory_space<hbm>> -> memref<632x128xf32, #tpu.memory_space<hbm>>
      tpu.wait_dma2 semaphore(%arg14 : memref<!tpu.dma_semaphore, #tpu.memory_space<semaphore_mem>>) src(%dma_wait3A_249 : memref<632x128xf32, #tpu.memory_space<hbm>>) dst(%dma_wait3A_246 : memref<632x128xf32, #tpu.memory_space<vmem_shared>>)
    } else {
    }
    %eq3A_135 = arith.constant 4 : i32
    %eq3A_136 = arith.cmpi eq, %arg1, %eq3A_135 : i32
    %convert_element_type3A_137 = arith.extui %eq3A_136 : i1 to i32
    %cond3A_138 = arith.constant 0 : i32
    %cond3A_139 = arith.cmpi ne, %convert_element_type3A_137, %cond3A_138 : i32
    scf.if %cond3A_139 {
      %dma_wait3A_244 = arith.constant 2528 : i32
      %dma_wait3A_245 = arith.constant 0 : i32
      %dma_wait3A_246 = tpu.memref_slice %arg5[%dma_wait3A_244, %dma_wait3A_245] : memref<10000x128xf32, #tpu.memory_space<vmem_shared>> -> memref<632x128xf32, #tpu.memory_space<vmem_shared>>
      %dma_wait3A_247 = arith.constant 2528 : i32
      %dma_wait3A_248 = arith.constant 0 : i32
      %dma_wait3A_249 = tpu.memref_slice %arg2[%dma_wait3A_247, %dma_wait3A_248] : memref<10000x128xf32, #tpu.memory_space<hbm>> -> memref<632x128xf32, #tpu.memory_space<hbm>>
      tpu.wait_dma2 semaphore(%arg14 : memref<!tpu.dma_semaphore, #tpu.memory_space<semaphore_mem>>) src(%dma_wait3A_249 : memref<632x128xf32, #tpu.memory_space<hbm>>) dst(%dma_wait3A_246 : memref<632x128xf32, #tpu.memory_space<vmem_shared>>)
    } else {
    }
    %eq3A_140 = arith.constant 5 : i32
    %eq3A_141 = arith.cmpi eq, %arg1, %eq3A_140 : i32
    %convert_element_type3A_142 = arith.extui %eq3A_141 : i1 to i32
    %cond3A_143 = arith.constant 0 : i32
    %cond3A_144 = arith.cmpi ne, %convert_element_type3A_142, %cond3A_143 : i32
    scf.if %cond3A_144 {
      %dma_wait3A_244 = arith.constant 3160 : i32
      %dma_wait3A_245 = arith.constant 0 : i32
      %dma_wait3A_246 = tpu.memref_slice %arg5[%dma_wait3A_244, %dma_wait3A_245] : memref<10000x128xf32, #tpu.memory_space<vmem_shared>> -> memref<632x128xf32, #tpu.memory_space<vmem_shared>>
      %dma_wait3A_247 = arith.constant 3160 : i32
      %dma_wait3A_248 = arith.constant 0 : i32
      %dma_wait3A_249 = tpu.memref_slice %arg2[%dma_wait3A_247, %dma_wait3A_248] : memref<10000x128xf32, #tpu.memory_space<hbm>> -> memref<632x128xf32, #tpu.memory_space<hbm>>
      tpu.wait_dma2 semaphore(%arg14 : memref<!tpu.dma_semaphore, #tpu.memory_space<semaphore_mem>>) src(%dma_wait3A_249 : memref<632x128xf32, #tpu.memory_space<hbm>>) dst(%dma_wait3A_246 : memref<632x128xf32, #tpu.memory_space<vmem_shared>>)
    } else {
    }
    %eq3A_145 = arith.constant 6 : i32
    %eq3A_146 = arith.cmpi eq, %arg1, %eq3A_145 : i32
    %convert_element_type3A_147 = arith.extui %eq3A_146 : i1 to i32
    %cond3A_148 = arith.constant 0 : i32
    %cond3A_149 = arith.cmpi ne, %convert_element_type3A_147, %cond3A_148 : i32
    scf.if %cond3A_149 {
      %dma_wait3A_244 = arith.constant 3792 : i32
      %dma_wait3A_245 = arith.constant 0 : i32
      %dma_wait3A_246 = tpu.memref_slice %arg5[%dma_wait3A_244, %dma_wait3A_245] : memref<10000x128xf32, #tpu.memory_space<vmem_shared>> -> memref<632x128xf32, #tpu.memory_space<vmem_shared>>
      %dma_wait3A_247 = arith.constant 3792 : i32
      %dma_wait3A_248 = arith.constant 0 : i32
      %dma_wait3A_249 = tpu.memref_slice %arg2[%dma_wait3A_247, %dma_wait3A_248] : memref<10000x128xf32, #tpu.memory_space<hbm>> -> memref<632x128xf32, #tpu.memory_space<hbm>>
      tpu.wait_dma2 semaphore(%arg14 : memref<!tpu.dma_semaphore, #tpu.memory_space<semaphore_mem>>) src(%dma_wait3A_249 : memref<632x128xf32, #tpu.memory_space<hbm>>) dst(%dma_wait3A_246 : memref<632x128xf32, #tpu.memory_space<vmem_shared>>)
    } else {
    }
    %eq3A_150 = arith.constant 7 : i32
    %eq3A_151 = arith.cmpi eq, %arg1, %eq3A_150 : i32
    %convert_element_type3A_152 = arith.extui %eq3A_151 : i1 to i32
    %cond3A_153 = arith.constant 0 : i32
    %cond3A_154 = arith.cmpi ne, %convert_element_type3A_152, %cond3A_153 : i32
    scf.if %cond3A_154 {
      %dma_wait3A_244 = arith.constant 4424 : i32
      %dma_wait3A_245 = arith.constant 0 : i32
      %dma_wait3A_246 = tpu.memref_slice %arg5[%dma_wait3A_244, %dma_wait3A_245] : memref<10000x128xf32, #tpu.memory_space<vmem_shared>> -> memref<632x128xf32, #tpu.memory_space<vmem_shared>>
      %dma_wait3A_247 = arith.constant 4424 : i32
      %dma_wait3A_248 = arith.constant 0 : i32
      %dma_wait3A_249 = tpu.memref_slice %arg2[%dma_wait3A_247, %dma_wait3A_248] : memref<10000x128xf32, #tpu.memory_space<hbm>> -> memref<632x128xf32, #tpu.memory_space<hbm>>
      tpu.wait_dma2 semaphore(%arg14 : memref<!tpu.dma_semaphore, #tpu.memory_space<semaphore_mem>>) src(%dma_wait3A_249 : memref<632x128xf32, #tpu.memory_space<hbm>>) dst(%dma_wait3A_246 : memref<632x128xf32, #tpu.memory_space<vmem_shared>>)
    } else {
    }
    %eq3A_155 = arith.constant 8 : i32
    %eq3A_156 = arith.cmpi eq, %arg1, %eq3A_155 : i32
    %convert_element_type3A_157 = arith.extui %eq3A_156 : i1 to i32
    %cond3A_158 = arith.constant 0 : i32
    %cond3A_159 = arith.cmpi ne, %convert_element_type3A_157, %cond3A_158 : i32
    scf.if %cond3A_159 {
      %dma_wait3A_244 = arith.constant 5056 : i32
      %dma_wait3A_245 = arith.constant 0 : i32
      %dma_wait3A_246 = tpu.memref_slice %arg5[%dma_wait3A_244, %dma_wait3A_245] : memref<10000x128xf32, #tpu.memory_space<vmem_shared>> -> memref<632x128xf32, #tpu.memory_space<vmem_shared>>
      %dma_wait3A_247 = arith.constant 5056 : i32
      %dma_wait3A_248 = arith.constant 0 : i32
      %dma_wait3A_249 = tpu.memref_slice %arg2[%dma_wait3A_247, %dma_wait3A_248] : memref<10000x128xf32, #tpu.memory_space<hbm>> -> memref<632x128xf32, #tpu.memory_space<hbm>>
      tpu.wait_dma2 semaphore(%arg14 : memref<!tpu.dma_semaphore, #tpu.memory_space<semaphore_mem>>) src(%dma_wait3A_249 : memref<632x128xf32, #tpu.memory_space<hbm>>) dst(%dma_wait3A_246 : memref<632x128xf32, #tpu.memory_space<vmem_shared>>)
    } else {
    }
    %eq3A_160 = arith.constant 9 : i32
    %eq3A_161 = arith.cmpi eq, %arg1, %eq3A_160 : i32
    %convert_element_type3A_162 = arith.extui %eq3A_161 : i1 to i32
    %cond3A_163 = arith.constant 0 : i32
    %cond3A_164 = arith.cmpi ne, %convert_element_type3A_162, %cond3A_163 : i32
    scf.if %cond3A_164 {
      %dma_wait3A_244 = arith.constant 5688 : i32
      %dma_wait3A_245 = arith.constant 0 : i32
      %dma_wait3A_246 = tpu.memref_slice %arg5[%dma_wait3A_244, %dma_wait3A_245] : memref<10000x128xf32, #tpu.memory_space<vmem_shared>> -> memref<632x128xf32, #tpu.memory_space<vmem_shared>>
      %dma_wait3A_247 = arith.constant 5688 : i32
      %dma_wait3A_248 = arith.constant 0 : i32
      %dma_wait3A_249 = tpu.memref_slice %arg2[%dma_wait3A_247, %dma_wait3A_248] : memref<10000x128xf32, #tpu.memory_space<hbm>> -> memref<632x128xf32, #tpu.memory_space<hbm>>
      tpu.wait_dma2 semaphore(%arg14 : memref<!tpu.dma_semaphore, #tpu.memory_space<semaphore_mem>>) src(%dma_wait3A_249 : memref<632x128xf32, #tpu.memory_space<hbm>>) dst(%dma_wait3A_246 : memref<632x128xf32, #tpu.memory_space<vmem_shared>>)
    } else {
    }
    %eq3A_165 = arith.constant 10 : i32
    %eq3A_166 = arith.cmpi eq, %arg1, %eq3A_165 : i32
    %convert_element_type3A_167 = arith.extui %eq3A_166 : i1 to i32
    %cond3A_168 = arith.constant 0 : i32
    %cond3A_169 = arith.cmpi ne, %convert_element_type3A_167, %cond3A_168 : i32
    scf.if %cond3A_169 {
      %dma_wait3A_244 = arith.constant 6320 : i32
      %dma_wait3A_245 = arith.constant 0 : i32
      %dma_wait3A_246 = tpu.memref_slice %arg5[%dma_wait3A_244, %dma_wait3A_245] : memref<10000x128xf32, #tpu.memory_space<vmem_shared>> -> memref<632x128xf32, #tpu.memory_space<vmem_shared>>
      %dma_wait3A_247 = arith.constant 6320 : i32
      %dma_wait3A_248 = arith.constant 0 : i32
      %dma_wait3A_249 = tpu.memref_slice %arg2[%dma_wait3A_247, %dma_wait3A_248] : memref<10000x128xf32, #tpu.memory_space<hbm>> -> memref<632x128xf32, #tpu.memory_space<hbm>>
      tpu.wait_dma2 semaphore(%arg14 : memref<!tpu.dma_semaphore, #tpu.memory_space<semaphore_mem>>) src(%dma_wait3A_249 : memref<632x128xf32, #tpu.memory_space<hbm>>) dst(%dma_wait3A_246 : memref<632x128xf32, #tpu.memory_space<vmem_shared>>)
    } else {
    }
    %eq3A_170 = arith.constant 11 : i32
    %eq3A_171 = arith.cmpi eq, %arg1, %eq3A_170 : i32
    %convert_element_type3A_172 = arith.extui %eq3A_171 : i1 to i32
    %cond3A_173 = arith.constant 0 : i32
    %cond3A_174 = arith.cmpi ne, %convert_element_type3A_172, %cond3A_173 : i32
    scf.if %cond3A_174 {
      %dma_wait3A_244 = arith.constant 6952 : i32
      %dma_wait3A_245 = arith.constant 0 : i32
      %dma_wait3A_246 = tpu.memref_slice %arg5[%dma_wait3A_244, %dma_wait3A_245] : memref<10000x128xf32, #tpu.memory_space<vmem_shared>> -> memref<632x128xf32, #tpu.memory_space<vmem_shared>>
      %dma_wait3A_247 = arith.constant 6952 : i32
      %dma_wait3A_248 = arith.constant 0 : i32
      %dma_wait3A_249 = tpu.memref_slice %arg2[%dma_wait3A_247, %dma_wait3A_248] : memref<10000x128xf32, #tpu.memory_space<hbm>> -> memref<632x128xf32, #tpu.memory_space<hbm>>
      tpu.wait_dma2 semaphore(%arg14 : memref<!tpu.dma_semaphore, #tpu.memory_space<semaphore_mem>>) src(%dma_wait3A_249 : memref<632x128xf32, #tpu.memory_space<hbm>>) dst(%dma_wait3A_246 : memref<632x128xf32, #tpu.memory_space<vmem_shared>>)
    } else {
    }
    %eq3A_175 = arith.constant 12 : i32
    %eq3A_176 = arith.cmpi eq, %arg1, %eq3A_175 : i32
    %convert_element_type3A_177 = arith.extui %eq3A_176 : i1 to i32
    %cond3A_178 = arith.constant 0 : i32
    %cond3A_179 = arith.cmpi ne, %convert_element_type3A_177, %cond3A_178 : i32
    scf.if %cond3A_179 {
      %dma_wait3A_244 = arith.constant 7584 : i32
      %dma_wait3A_245 = arith.constant 0 : i32
      %dma_wait3A_246 = tpu.memref_slice %arg5[%dma_wait3A_244, %dma_wait3A_245] : memref<10000x128xf32, #tpu.memory_space<vmem_shared>> -> memref<632x128xf32, #tpu.memory_space<vmem_shared>>
      %dma_wait3A_247 = arith.constant 7584 : i32
      %dma_wait3A_248 = arith.constant 0 : i32
      %dma_wait3A_249 = tpu.memref_slice %arg2[%dma_wait3A_247, %dma_wait3A_248] : memref<10000x128xf32, #tpu.memory_space<hbm>> -> memref<632x128xf32, #tpu.memory_space<hbm>>
      tpu.wait_dma2 semaphore(%arg14 : memref<!tpu.dma_semaphore, #tpu.memory_space<semaphore_mem>>) src(%dma_wait3A_249 : memref<632x128xf32, #tpu.memory_space<hbm>>) dst(%dma_wait3A_246 : memref<632x128xf32, #tpu.memory_space<vmem_shared>>)
    } else {
    }
    %eq3A_180 = arith.constant 13 : i32
    %eq3A_181 = arith.cmpi eq, %arg1, %eq3A_180 : i32
    %convert_element_type3A_182 = arith.extui %eq3A_181 : i1 to i32
    %cond3A_183 = arith.constant 0 : i32
    %cond3A_184 = arith.cmpi ne, %convert_element_type3A_182, %cond3A_183 : i32
    scf.if %cond3A_184 {
      %dma_wait3A_244 = arith.constant 8216 : i32
      %dma_wait3A_245 = arith.constant 0 : i32
      %dma_wait3A_246 = tpu.memref_slice %arg5[%dma_wait3A_244, %dma_wait3A_245] : memref<10000x128xf32, #tpu.memory_space<vmem_shared>> -> memref<632x128xf32, #tpu.memory_space<vmem_shared>>
      %dma_wait3A_247 = arith.constant 8216 : i32
      %dma_wait3A_248 = arith.constant 0 : i32
      %dma_wait3A_249 = tpu.memref_slice %arg2[%dma_wait3A_247, %dma_wait3A_248] : memref<10000x128xf32, #tpu.memory_space<hbm>> -> memref<632x128xf32, #tpu.memory_space<hbm>>
      tpu.wait_dma2 semaphore(%arg14 : memref<!tpu.dma_semaphore, #tpu.memory_space<semaphore_mem>>) src(%dma_wait3A_249 : memref<632x128xf32, #tpu.memory_space<hbm>>) dst(%dma_wait3A_246 : memref<632x128xf32, #tpu.memory_space<vmem_shared>>)
    } else {
    }
    %eq3A_185 = arith.constant 14 : i32
    %eq3A_186 = arith.cmpi eq, %arg1, %eq3A_185 : i32
    %convert_element_type3A_187 = arith.extui %eq3A_186 : i1 to i32
    %cond3A_188 = arith.constant 0 : i32
    %cond3A_189 = arith.cmpi ne, %convert_element_type3A_187, %cond3A_188 : i32
    scf.if %cond3A_189 {
      %dma_wait3A_244 = arith.constant 8848 : i32
      %dma_wait3A_245 = arith.constant 0 : i32
      %dma_wait3A_246 = tpu.memref_slice %arg5[%dma_wait3A_244, %dma_wait3A_245] : memref<10000x128xf32, #tpu.memory_space<vmem_shared>> -> memref<632x128xf32, #tpu.memory_space<vmem_shared>>
      %dma_wait3A_247 = arith.constant 8848 : i32
      %dma_wait3A_248 = arith.constant 0 : i32
      %dma_wait3A_249 = tpu.memref_slice %arg2[%dma_wait3A_247, %dma_wait3A_248] : memref<10000x128xf32, #tpu.memory_space<hbm>> -> memref<632x128xf32, #tpu.memory_space<hbm>>
      tpu.wait_dma2 semaphore(%arg14 : memref<!tpu.dma_semaphore, #tpu.memory_space<semaphore_mem>>) src(%dma_wait3A_249 : memref<632x128xf32, #tpu.memory_space<hbm>>) dst(%dma_wait3A_246 : memref<632x128xf32, #tpu.memory_space<vmem_shared>>)
    } else {
    }
    %eq3A_190 = arith.constant 15 : i32
    %eq3A_191 = arith.cmpi eq, %arg1, %eq3A_190 : i32
    %convert_element_type3A_192 = arith.extui %eq3A_191 : i1 to i32
    %cond3A_193 = arith.constant 0 : i32
    %cond3A_194 = arith.cmpi ne, %convert_element_type3A_192, %cond3A_193 : i32
    scf.if %cond3A_194 {
      %dma_wait3A_244 = arith.constant 9480 : i32
      %dma_wait3A_245 = arith.constant 0 : i32
      %dma_wait3A_246 = tpu.memref_slice %arg5[%dma_wait3A_244, %dma_wait3A_245] : memref<10000x128xf32, #tpu.memory_space<vmem_shared>> -> memref<520x128xf32, #tpu.memory_space<vmem_shared>>
      %dma_wait3A_247 = arith.constant 9480 : i32
      %dma_wait3A_248 = arith.constant 0 : i32
      %dma_wait3A_249 = tpu.memref_slice %arg2[%dma_wait3A_247, %dma_wait3A_248] : memref<10000x128xf32, #tpu.memory_space<hbm>> -> memref<520x128xf32, #tpu.memory_space<hbm>>
      tpu.wait_dma2 semaphore(%arg14 : memref<!tpu.dma_semaphore, #tpu.memory_space<semaphore_mem>>) src(%dma_wait3A_249 : memref<520x128xf32, #tpu.memory_space<hbm>>) dst(%dma_wait3A_246 : memref<520x128xf32, #tpu.memory_space<vmem_shared>>)
    } else {
    }
    %barrier3A = arith.constant 0 : index
    tpu.barrier barrier_id(%barrier3A)
    %scan3A = arith.constant 0 : i32
    %scan3A_195 = arith.constant 0 : i32
    %scan3A_196 = arith.constant 42 : i32
    %scan3A_197 = arith.addi %scan3A_195, %scan3A_196 : i32
    %scan3A_198 = arith.constant 1 : i32
    scf.for %scan3A_244 = %scan3A_195 to %scan3A_197 step %scan3A_198  : i32 {
      %mul3A_245 = arith.constant 3 : i32
      %mul3A_246 = arith.muli %scan3A_244, %mul3A_245 : i32
      %add3A_247 = arith.constant 0 : i32
      %add3A_248 = arith.addi %mul3A_246, %add3A_247 : i32
      %lt3A = arith.constant 125 : i32
      %lt3A_249 = arith.cmpi slt, %add3A_248, %lt3A : i32
      %convert_element_type3A_250 = arith.extui %lt3A_249 : i1 to i32
      %cond3A_251 = arith.constant 0 : i32
      %cond3A_252 = arith.cmpi ne, %convert_element_type3A_250, %cond3A_251 : i32
      scf.if %cond3A_252 {
        %lt3A_294 = arith.constant 3 : i32
        %lt3A_295 = arith.cmpi slt, %add3A_248, %lt3A_294 : i32
        %convert_element_type3A_296 = arith.extui %lt3A_295 : i1 to i32
        %cond3A_297 = arith.constant 0 : i32
        %cond3A_298 = arith.cmpi ne, %convert_element_type3A_296, %cond3A_297 : i32
        scf.if %cond3A_298 {
          %dma_wait3A_319 = arith.constant 0 : i32
          %dma_wait3A_320 = arith.constant 0 : i32
          %dma_wait3A_321 = arith.constant 0 : i32
          %dma_wait3A_322 = tpu.memref_slice %arg7[%dma_wait3A_319, %dma_wait3A_320, %dma_wait3A_321] : memref<3x80x128xf32, #tpu.memory_space<vmem>> -> memref<1x80x128xf32, #tpu.memory_space<vmem>>
          %dma_wait3A_323 = tpu.memref_squeeze %dma_wait3A_322 : memref<1x80x128xf32, #tpu.memory_space<vmem>> -> memref<80x128xf32, #tpu.memory_space<vmem>>
          %dma_wait3A_324 = arith.constant 0 : i32
          %dma_wait3A_325 = tpu.memref_slice %arg6[%add3A_248, %dma_wait3A_324] : memref<125x80xi32, #tpu.memory_space<vmem>> -> memref<1x80xi32, #tpu.memory_space<vmem>>
          %dma_wait3A_326 = tpu.memref_squeeze %dma_wait3A_325 : memref<1x80xi32, #tpu.memory_space<vmem>> -> memref<80xi32, #tpu.memory_space<vmem>>
          %dma_wait3A_327 = arith.constant 0 : i32
          %dma_wait3A_328 = arith.constant 0 : i32
          %dma_wait3A_329 = tpu.memref_slice %arg2[%dma_wait3A_327, %dma_wait3A_328] : memref<10000x128xf32, #tpu.memory_space<hbm>> -> memref<10000x128xf32, #tpu.memory_space<hbm>>
          tpu.wait_indirect_dma semaphore(%arg8 : memref<!tpu.dma_semaphore, #tpu.memory_space<semaphore_mem>>) src(%dma_wait3A_329 : memref<10000x128xf32, #tpu.memory_space<hbm>>) dst(%dma_wait3A_323 : memref<80x128xf32, #tpu.memory_space<vmem>>)
        } else {
        }
        %ge3A = arith.constant 3 : i32
        %ge3A_299 = arith.cmpi sge, %add3A_248, %ge3A : i32
        %convert_element_type3A_300 = arith.extui %ge3A_299 : i1 to i32
        %cond3A_301 = arith.constant 0 : i32
        %cond3A_302 = arith.cmpi ne, %convert_element_type3A_300, %cond3A_301 : i32
        scf.if %cond3A_302 {
          %dma_wait3A_319 = arith.constant 0 : i32
          %dma_wait3A_320 = arith.constant 0 : i32
          %dma_wait3A_321 = arith.constant 0 : i32
          %dma_wait3A_322 = tpu.memref_slice %arg7[%dma_wait3A_319, %dma_wait3A_320, %dma_wait3A_321] : memref<3x80x128xf32, #tpu.memory_space<vmem>> -> memref<1x80x128xf32, #tpu.memory_space<vmem>>
          %dma_wait3A_323 = tpu.memref_squeeze %dma_wait3A_322 : memref<1x80x128xf32, #tpu.memory_space<vmem>> -> memref<80x128xf32, #tpu.memory_space<vmem>>
          %dma_wait3A_324 = arith.constant 0 : i32
          %dma_wait3A_325 = tpu.memref_slice %arg6[%add3A_248, %dma_wait3A_324] : memref<125x80xi32, #tpu.memory_space<vmem>> -> memref<1x80xi32, #tpu.memory_space<vmem>>
          %dma_wait3A_326 = tpu.memref_squeeze %dma_wait3A_325 : memref<1x80xi32, #tpu.memory_space<vmem>> -> memref<80xi32, #tpu.memory_space<vmem>>
          %dma_wait3A_327 = arith.constant 0 : i32
          %dma_wait3A_328 = arith.constant 0 : i32
          %dma_wait3A_329 = tpu.memref_slice %arg5[%dma_wait3A_327, %dma_wait3A_328] : memref<10000x128xf32, #tpu.memory_space<vmem_shared>> -> memref<10000x128xf32, #tpu.memory_space<vmem_shared>>
          tpu.wait_indirect_dma semaphore(%arg8 : memref<!tpu.dma_semaphore, #tpu.memory_space<semaphore_mem>>) src(%dma_wait3A_329 : memref<10000x128xf32, #tpu.memory_space<vmem_shared>>) dst(%dma_wait3A_323 : memref<80x128xf32, #tpu.memory_space<vmem>>)
        } else {
        }
        %mul3A_303 = arith.constant 80 : i32
        %mul3A_304 = arith.muli %add3A_248, %mul3A_303 : i32
        %add3A_305 = arith.addi %mul3A_2, %mul3A_304 : i32
        %dma_start3A_306 = arith.constant 0 : i32
        %dma_start3A_307 = arith.constant 0 : i32
        %dma_start3A_308 = arith.constant 0 : i32
        %dma_start3A_309 = tpu.memref_slice %arg7[%dma_start3A_306, %dma_start3A_307, %dma_start3A_308] : memref<3x80x128xf32, #tpu.memory_space<vmem>> -> memref<1x80x128xf32, #tpu.memory_space<vmem>>
        %dma_start3A_310 = tpu.memref_squeeze %dma_start3A_309 : memref<1x80x128xf32, #tpu.memory_space<vmem>> -> memref<80x128xf32, #tpu.memory_space<vmem>>
        %dma_start3A_311 = arith.constant 0 : i32
        %dma_start3A_312 = tpu.memref_slice %arg4[%add3A_305, %dma_start3A_311] : memref<320000x128xf32, #tpu.memory_space<hbm>> -> memref<80x128xf32, #tpu.memory_space<hbm>>
        %dma_start3A_313 = arith.constant 0 : i32
        %dma_start3A_314 = tpu.memref_slice %arg4[%add3A_305, %dma_start3A_313] : memref<320000x128xf32, #tpu.memory_space<hbm>> -> memref<80x128xf32, #tpu.memory_space<hbm>>
        %dma_start3A_315 = arith.constant 0 : i32
        %dma_start3A_316 = arith.constant 0 : i32
        %dma_start3A_317 = tpu.memref_slice %arg7[%dma_start3A_306, %dma_start3A_315, %dma_start3A_316] : memref<3x80x128xf32, #tpu.memory_space<vmem>> -> memref<1x80x128xf32, #tpu.memory_space<vmem>>
        %dma_start3A_318 = tpu.memref_squeeze %dma_start3A_317 : memref<1x80x128xf32, #tpu.memory_space<vmem>> -> memref<80x128xf32, #tpu.memory_space<vmem>>
        tpu.enqueue_dma source(%dma_start3A_318 : memref<80x128xf32, #tpu.memory_space<vmem>>) target(%dma_start3A_314 : memref<80x128xf32, #tpu.memory_space<hbm>>) target_semaphore(%arg11 : memref<!tpu.dma_semaphore, #tpu.memory_space<semaphore_mem>>)
      } else {
      }
      %add3A_253 = arith.constant 1 : i32
      %add3A_254 = arith.addi %mul3A_246, %add3A_253 : i32
      %lt3A_255 = arith.constant 125 : i32
      %lt3A_256 = arith.cmpi slt, %add3A_254, %lt3A_255 : i32
      %convert_element_type3A_257 = arith.extui %lt3A_256 : i1 to i32
      %cond3A_258 = arith.constant 0 : i32
      %cond3A_259 = arith.cmpi ne, %convert_element_type3A_257, %cond3A_258 : i32
      scf.if %cond3A_259 {
        %lt3A_294 = arith.constant 3 : i32
        %lt3A_295 = arith.cmpi slt, %add3A_254, %lt3A_294 : i32
        %convert_element_type3A_296 = arith.extui %lt3A_295 : i1 to i32
        %cond3A_297 = arith.constant 0 : i32
        %cond3A_298 = arith.cmpi ne, %convert_element_type3A_296, %cond3A_297 : i32
        scf.if %cond3A_298 {
          %dma_wait3A_319 = arith.constant 1 : i32
          %dma_wait3A_320 = arith.constant 0 : i32
          %dma_wait3A_321 = arith.constant 0 : i32
          %dma_wait3A_322 = tpu.memref_slice %arg7[%dma_wait3A_319, %dma_wait3A_320, %dma_wait3A_321] : memref<3x80x128xf32, #tpu.memory_space<vmem>> -> memref<1x80x128xf32, #tpu.memory_space<vmem>>
          %dma_wait3A_323 = tpu.memref_squeeze %dma_wait3A_322 : memref<1x80x128xf32, #tpu.memory_space<vmem>> -> memref<80x128xf32, #tpu.memory_space<vmem>>
          %dma_wait3A_324 = arith.constant 0 : i32
          %dma_wait3A_325 = tpu.memref_slice %arg6[%add3A_254, %dma_wait3A_324] : memref<125x80xi32, #tpu.memory_space<vmem>> -> memref<1x80xi32, #tpu.memory_space<vmem>>
          %dma_wait3A_326 = tpu.memref_squeeze %dma_wait3A_325 : memref<1x80xi32, #tpu.memory_space<vmem>> -> memref<80xi32, #tpu.memory_space<vmem>>
          %dma_wait3A_327 = arith.constant 0 : i32
          %dma_wait3A_328 = arith.constant 0 : i32
          %dma_wait3A_329 = tpu.memref_slice %arg2[%dma_wait3A_327, %dma_wait3A_328] : memref<10000x128xf32, #tpu.memory_space<hbm>> -> memref<10000x128xf32, #tpu.memory_space<hbm>>
          tpu.wait_indirect_dma semaphore(%arg9 : memref<!tpu.dma_semaphore, #tpu.memory_space<semaphore_mem>>) src(%dma_wait3A_329 : memref<10000x128xf32, #tpu.memory_space<hbm>>) dst(%dma_wait3A_323 : memref<80x128xf32, #tpu.memory_space<vmem>>)
        } else {
        }
        %ge3A = arith.constant 3 : i32
        %ge3A_299 = arith.cmpi sge, %add3A_254, %ge3A : i32
        %convert_element_type3A_300 = arith.extui %ge3A_299 : i1 to i32
        %cond3A_301 = arith.constant 0 : i32
        %cond3A_302 = arith.cmpi ne, %convert_element_type3A_300, %cond3A_301 : i32
        scf.if %cond3A_302 {
          %dma_wait3A_319 = arith.constant 1 : i32
          %dma_wait3A_320 = arith.constant 0 : i32
          %dma_wait3A_321 = arith.constant 0 : i32
          %dma_wait3A_322 = tpu.memref_slice %arg7[%dma_wait3A_319, %dma_wait3A_320, %dma_wait3A_321] : memref<3x80x128xf32, #tpu.memory_space<vmem>> -> memref<1x80x128xf32, #tpu.memory_space<vmem>>
          %dma_wait3A_323 = tpu.memref_squeeze %dma_wait3A_322 : memref<1x80x128xf32, #tpu.memory_space<vmem>> -> memref<80x128xf32, #tpu.memory_space<vmem>>
          %dma_wait3A_324 = arith.constant 0 : i32
          %dma_wait3A_325 = tpu.memref_slice %arg6[%add3A_254, %dma_wait3A_324] : memref<125x80xi32, #tpu.memory_space<vmem>> -> memref<1x80xi32, #tpu.memory_space<vmem>>
          %dma_wait3A_326 = tpu.memref_squeeze %dma_wait3A_325 : memref<1x80xi32, #tpu.memory_space<vmem>> -> memref<80xi32, #tpu.memory_space<vmem>>
          %dma_wait3A_327 = arith.constant 0 : i32
          %dma_wait3A_328 = arith.constant 0 : i32
          %dma_wait3A_329 = tpu.memref_slice %arg5[%dma_wait3A_327, %dma_wait3A_328] : memref<10000x128xf32, #tpu.memory_space<vmem_shared>> -> memref<10000x128xf32, #tpu.memory_space<vmem_shared>>
          tpu.wait_indirect_dma semaphore(%arg9 : memref<!tpu.dma_semaphore, #tpu.memory_space<semaphore_mem>>) src(%dma_wait3A_329 : memref<10000x128xf32, #tpu.memory_space<vmem_shared>>) dst(%dma_wait3A_323 : memref<80x128xf32, #tpu.memory_space<vmem>>)
        } else {
        }
        %mul3A_303 = arith.constant 80 : i32
        %mul3A_304 = arith.muli %add3A_254, %mul3A_303 : i32
        %add3A_305 = arith.addi %mul3A_2, %mul3A_304 : i32
        %dma_start3A_306 = arith.constant 1 : i32
        %dma_start3A_307 = arith.constant 0 : i32
        %dma_start3A_308 = arith.constant 0 : i32
        %dma_start3A_309 = tpu.memref_slice %arg7[%dma_start3A_306, %dma_start3A_307, %dma_start3A_308] : memref<3x80x128xf32, #tpu.memory_space<vmem>> -> memref<1x80x128xf32, #tpu.memory_space<vmem>>
        %dma_start3A_310 = tpu.memref_squeeze %dma_start3A_309 : memref<1x80x128xf32, #tpu.memory_space<vmem>> -> memref<80x128xf32, #tpu.memory_space<vmem>>
        %dma_start3A_311 = arith.constant 0 : i32
        %dma_start3A_312 = tpu.memref_slice %arg4[%add3A_305, %dma_start3A_311] : memref<320000x128xf32, #tpu.memory_space<hbm>> -> memref<80x128xf32, #tpu.memory_space<hbm>>
        %dma_start3A_313 = arith.constant 0 : i32
        %dma_start3A_314 = tpu.memref_slice %arg4[%add3A_305, %dma_start3A_313] : memref<320000x128xf32, #tpu.memory_space<hbm>> -> memref<80x128xf32, #tpu.memory_space<hbm>>
        %dma_start3A_315 = arith.constant 0 : i32
        %dma_start3A_316 = arith.constant 0 : i32
        %dma_start3A_317 = tpu.memref_slice %arg7[%dma_start3A_306, %dma_start3A_315, %dma_start3A_316] : memref<3x80x128xf32, #tpu.memory_space<vmem>> -> memref<1x80x128xf32, #tpu.memory_space<vmem>>
        %dma_start3A_318 = tpu.memref_squeeze %dma_start3A_317 : memref<1x80x128xf32, #tpu.memory_space<vmem>> -> memref<80x128xf32, #tpu.memory_space<vmem>>
        tpu.enqueue_dma source(%dma_start3A_318 : memref<80x128xf32, #tpu.memory_space<vmem>>) target(%dma_start3A_314 : memref<80x128xf32, #tpu.memory_space<hbm>>) target_semaphore(%arg12 : memref<!tpu.dma_semaphore, #tpu.memory_space<semaphore_mem>>)
      } else {
      }
      %add3A_260 = arith.constant 2 : i32
      %add3A_261 = arith.addi %mul3A_246, %add3A_260 : i32
      %lt3A_262 = arith.constant 125 : i32
      %lt3A_263 = arith.cmpi slt, %add3A_261, %lt3A_262 : i32
      %convert_element_type3A_264 = arith.extui %lt3A_263 : i1 to i32
      %cond3A_265 = arith.constant 0 : i32
      %cond3A_266 = arith.cmpi ne, %convert_element_type3A_264, %cond3A_265 : i32
      scf.if %cond3A_266 {
        %lt3A_294 = arith.constant 3 : i32
        %lt3A_295 = arith.cmpi slt, %add3A_261, %lt3A_294 : i32
        %convert_element_type3A_296 = arith.extui %lt3A_295 : i1 to i32
        %cond3A_297 = arith.constant 0 : i32
        %cond3A_298 = arith.cmpi ne, %convert_element_type3A_296, %cond3A_297 : i32
        scf.if %cond3A_298 {
          %dma_wait3A_319 = arith.constant 2 : i32
          %dma_wait3A_320 = arith.constant 0 : i32
          %dma_wait3A_321 = arith.constant 0 : i32
          %dma_wait3A_322 = tpu.memref_slice %arg7[%dma_wait3A_319, %dma_wait3A_320, %dma_wait3A_321] : memref<3x80x128xf32, #tpu.memory_space<vmem>> -> memref<1x80x128xf32, #tpu.memory_space<vmem>>
          %dma_wait3A_323 = tpu.memref_squeeze %dma_wait3A_322 : memref<1x80x128xf32, #tpu.memory_space<vmem>> -> memref<80x128xf32, #tpu.memory_space<vmem>>
          %dma_wait3A_324 = arith.constant 0 : i32
          %dma_wait3A_325 = tpu.memref_slice %arg6[%add3A_261, %dma_wait3A_324] : memref<125x80xi32, #tpu.memory_space<vmem>> -> memref<1x80xi32, #tpu.memory_space<vmem>>
          %dma_wait3A_326 = tpu.memref_squeeze %dma_wait3A_325 : memref<1x80xi32, #tpu.memory_space<vmem>> -> memref<80xi32, #tpu.memory_space<vmem>>
          %dma_wait3A_327 = arith.constant 0 : i32
          %dma_wait3A_328 = arith.constant 0 : i32
          %dma_wait3A_329 = tpu.memref_slice %arg2[%dma_wait3A_327, %dma_wait3A_328] : memref<10000x128xf32, #tpu.memory_space<hbm>> -> memref<10000x128xf32, #tpu.memory_space<hbm>>
          tpu.wait_indirect_dma semaphore(%arg10 : memref<!tpu.dma_semaphore, #tpu.memory_space<semaphore_mem>>) src(%dma_wait3A_329 : memref<10000x128xf32, #tpu.memory_space<hbm>>) dst(%dma_wait3A_323 : memref<80x128xf32, #tpu.memory_space<vmem>>)
        } else {
        }
        %ge3A = arith.constant 3 : i32
        %ge3A_299 = arith.cmpi sge, %add3A_261, %ge3A : i32
        %convert_element_type3A_300 = arith.extui %ge3A_299 : i1 to i32
        %cond3A_301 = arith.constant 0 : i32
        %cond3A_302 = arith.cmpi ne, %convert_element_type3A_300, %cond3A_301 : i32
        scf.if %cond3A_302 {
          %dma_wait3A_319 = arith.constant 2 : i32
          %dma_wait3A_320 = arith.constant 0 : i32
          %dma_wait3A_321 = arith.constant 0 : i32
          %dma_wait3A_322 = tpu.memref_slice %arg7[%dma_wait3A_319, %dma_wait3A_320, %dma_wait3A_321] : memref<3x80x128xf32, #tpu.memory_space<vmem>> -> memref<1x80x128xf32, #tpu.memory_space<vmem>>
          %dma_wait3A_323 = tpu.memref_squeeze %dma_wait3A_322 : memref<1x80x128xf32, #tpu.memory_space<vmem>> -> memref<80x128xf32, #tpu.memory_space<vmem>>
          %dma_wait3A_324 = arith.constant 0 : i32
          %dma_wait3A_325 = tpu.memref_slice %arg6[%add3A_261, %dma_wait3A_324] : memref<125x80xi32, #tpu.memory_space<vmem>> -> memref<1x80xi32, #tpu.memory_space<vmem>>
          %dma_wait3A_326 = tpu.memref_squeeze %dma_wait3A_325 : memref<1x80xi32, #tpu.memory_space<vmem>> -> memref<80xi32, #tpu.memory_space<vmem>>
          %dma_wait3A_327 = arith.constant 0 : i32
          %dma_wait3A_328 = arith.constant 0 : i32
          %dma_wait3A_329 = tpu.memref_slice %arg5[%dma_wait3A_327, %dma_wait3A_328] : memref<10000x128xf32, #tpu.memory_space<vmem_shared>> -> memref<10000x128xf32, #tpu.memory_space<vmem_shared>>
          tpu.wait_indirect_dma semaphore(%arg10 : memref<!tpu.dma_semaphore, #tpu.memory_space<semaphore_mem>>) src(%dma_wait3A_329 : memref<10000x128xf32, #tpu.memory_space<vmem_shared>>) dst(%dma_wait3A_323 : memref<80x128xf32, #tpu.memory_space<vmem>>)
        } else {
        }
        %mul3A_303 = arith.constant 80 : i32
        %mul3A_304 = arith.muli %add3A_261, %mul3A_303 : i32
        %add3A_305 = arith.addi %mul3A_2, %mul3A_304 : i32
        %dma_start3A_306 = arith.constant 2 : i32
        %dma_start3A_307 = arith.constant 0 : i32
        %dma_start3A_308 = arith.constant 0 : i32
        %dma_start3A_309 = tpu.memref_slice %arg7[%dma_start3A_306, %dma_start3A_307, %dma_start3A_308] : memref<3x80x128xf32, #tpu.memory_space<vmem>> -> memref<1x80x128xf32, #tpu.memory_space<vmem>>
        %dma_start3A_310 = tpu.memref_squeeze %dma_start3A_309 : memref<1x80x128xf32, #tpu.memory_space<vmem>> -> memref<80x128xf32, #tpu.memory_space<vmem>>
        %dma_start3A_311 = arith.constant 0 : i32
        %dma_start3A_312 = tpu.memref_slice %arg4[%add3A_305, %dma_start3A_311] : memref<320000x128xf32, #tpu.memory_space<hbm>> -> memref<80x128xf32, #tpu.memory_space<hbm>>
        %dma_start3A_313 = arith.constant 0 : i32
        %dma_start3A_314 = tpu.memref_slice %arg4[%add3A_305, %dma_start3A_313] : memref<320000x128xf32, #tpu.memory_space<hbm>> -> memref<80x128xf32, #tpu.memory_space<hbm>>
        %dma_start3A_315 = arith.constant 0 : i32
        %dma_start3A_316 = arith.constant 0 : i32
        %dma_start3A_317 = tpu.memref_slice %arg7[%dma_start3A_306, %dma_start3A_315, %dma_start3A_316] : memref<3x80x128xf32, #tpu.memory_space<vmem>> -> memref<1x80x128xf32, #tpu.memory_space<vmem>>
        %dma_start3A_318 = tpu.memref_squeeze %dma_start3A_317 : memref<1x80x128xf32, #tpu.memory_space<vmem>> -> memref<80x128xf32, #tpu.memory_space<vmem>>
        tpu.enqueue_dma source(%dma_start3A_318 : memref<80x128xf32, #tpu.memory_space<vmem>>) target(%dma_start3A_314 : memref<80x128xf32, #tpu.memory_space<hbm>>) target_semaphore(%arg13 : memref<!tpu.dma_semaphore, #tpu.memory_space<semaphore_mem>>)
      } else {
      }
      %add3A_267 = arith.constant 0 : i32
      %add3A_268 = arith.addi %mul3A_246, %add3A_267 : i32
      %add3A_269 = arith.constant 3 : i32
      %add3A_270 = arith.addi %add3A_268, %add3A_269 : i32
      %lt3A_271 = arith.constant 125 : i32
      %lt3A_272 = arith.cmpi slt, %add3A_270, %lt3A_271 : i32
      %convert_element_type3A_273 = arith.extui %lt3A_272 : i1 to i32
      %cond3A_274 = arith.constant 0 : i32
      %cond3A_275 = arith.cmpi ne, %convert_element_type3A_273, %cond3A_274 : i32
      scf.if %cond3A_275 {
        %add3A_294 = arith.constant 0 : i32
        %add3A_295 = arith.addi %mul3A_246, %add3A_294 : i32
        %mul3A_296 = arith.constant 80 : i32
        %mul3A_297 = arith.muli %add3A_295, %mul3A_296 : i32
        %add3A_298 = arith.addi %mul3A_2, %mul3A_297 : i32
        %dma_wait3A_299 = arith.constant 0 : i32
        %dma_wait3A_300 = arith.constant 0 : i32
        %dma_wait3A_301 = arith.constant 0 : i32
        %dma_wait3A_302 = tpu.memref_slice %arg7[%dma_wait3A_299, %dma_wait3A_300, %dma_wait3A_301] : memref<3x80x128xf32, #tpu.memory_space<vmem>> -> memref<1x80x128xf32, #tpu.memory_space<vmem>>
        %dma_wait3A_303 = tpu.memref_squeeze %dma_wait3A_302 : memref<1x80x128xf32, #tpu.memory_space<vmem>> -> memref<80x128xf32, #tpu.memory_space<vmem>>
        %dma_wait3A_304 = arith.constant 0 : i32
        %dma_wait3A_305 = tpu.memref_slice %arg4[%add3A_298, %dma_wait3A_304] : memref<320000x128xf32, #tpu.memory_space<hbm>> -> memref<80x128xf32, #tpu.memory_space<hbm>>
        %dma_wait3A_306 = arith.constant 0 : i32
        %dma_wait3A_307 = tpu.memref_slice %arg4[%add3A_298, %dma_wait3A_306] : memref<320000x128xf32, #tpu.memory_space<hbm>> -> memref<80x128xf32, #tpu.memory_space<hbm>>
        %dma_wait3A_308 = arith.constant 0 : i32
        %dma_wait3A_309 = arith.constant 0 : i32
        %dma_wait3A_310 = tpu.memref_slice %arg7[%dma_wait3A_299, %dma_wait3A_308, %dma_wait3A_309] : memref<3x80x128xf32, #tpu.memory_space<vmem>> -> memref<1x80x128xf32, #tpu.memory_space<vmem>>
        %dma_wait3A_311 = tpu.memref_squeeze %dma_wait3A_310 : memref<1x80x128xf32, #tpu.memory_space<vmem>> -> memref<80x128xf32, #tpu.memory_space<vmem>>
        tpu.wait_dma2 semaphore(%arg11 : memref<!tpu.dma_semaphore, #tpu.memory_space<semaphore_mem>>) src(%dma_wait3A_311 : memref<80x128xf32, #tpu.memory_space<vmem>>) dst(%dma_wait3A_307 : memref<80x128xf32, #tpu.memory_space<hbm>>)
        %dma_start3A_312 = arith.constant 0 : i32
        %dma_start3A_313 = arith.constant 0 : i32
        %dma_start3A_314 = arith.constant 0 : i32
        %dma_start3A_315 = tpu.memref_slice %arg7[%dma_start3A_312, %dma_start3A_313, %dma_start3A_314] : memref<3x80x128xf32, #tpu.memory_space<vmem>> -> memref<1x80x128xf32, #tpu.memory_space<vmem>>
        %dma_start3A_316 = tpu.memref_squeeze %dma_start3A_315 : memref<1x80x128xf32, #tpu.memory_space<vmem>> -> memref<80x128xf32, #tpu.memory_space<vmem>>
        %dma_start3A_317 = arith.constant 0 : i32
        %dma_start3A_318 = tpu.memref_slice %arg6[%add3A_270, %dma_start3A_317] : memref<125x80xi32, #tpu.memory_space<vmem>> -> memref<1x80xi32, #tpu.memory_space<vmem>>
        %dma_start3A_319 = tpu.memref_squeeze %dma_start3A_318 : memref<1x80xi32, #tpu.memory_space<vmem>> -> memref<80xi32, #tpu.memory_space<vmem>>
        %dma_start3A_320 = arith.constant 0 : i32
        %dma_start3A_321 = arith.constant 0 : i32
        %dma_start3A_322 = tpu.memref_slice %arg5[%dma_start3A_320, %dma_start3A_321] : memref<10000x128xf32, #tpu.memory_space<vmem_shared>> -> memref<10000x128xf32, #tpu.memory_space<vmem_shared>>
        tpu.enqueue_indirect_dma source(%dma_start3A_322 : memref<10000x128xf32, #tpu.memory_space<vmem_shared>>) target(%dma_start3A_316 : memref<80x128xf32, #tpu.memory_space<vmem>>) offsets(%dma_start3A_319 : memref<80xi32, #tpu.memory_space<vmem>>) semaphore(%arg8 : memref<!tpu.dma_semaphore, #tpu.memory_space<semaphore_mem>>)
      } else {
      }
      %add3A_276 = arith.constant 1 : i32
      %add3A_277 = arith.addi %mul3A_246, %add3A_276 : i32
      %add3A_278 = arith.constant 3 : i32
      %add3A_279 = arith.addi %add3A_277, %add3A_278 : i32
      %lt3A_280 = arith.constant 125 : i32
      %lt3A_281 = arith.cmpi slt, %add3A_279, %lt3A_280 : i32
      %convert_element_type3A_282 = arith.extui %lt3A_281 : i1 to i32
      %cond3A_283 = arith.constant 0 : i32
      %cond3A_284 = arith.cmpi ne, %convert_element_type3A_282, %cond3A_283 : i32
      scf.if %cond3A_284 {
        %add3A_294 = arith.constant 1 : i32
        %add3A_295 = arith.addi %mul3A_246, %add3A_294 : i32
        %mul3A_296 = arith.constant 80 : i32
        %mul3A_297 = arith.muli %add3A_295, %mul3A_296 : i32
        %add3A_298 = arith.addi %mul3A_2, %mul3A_297 : i32
        %dma_wait3A_299 = arith.constant 1 : i32
        %dma_wait3A_300 = arith.constant 0 : i32
        %dma_wait3A_301 = arith.constant 0 : i32
        %dma_wait3A_302 = tpu.memref_slice %arg7[%dma_wait3A_299, %dma_wait3A_300, %dma_wait3A_301] : memref<3x80x128xf32, #tpu.memory_space<vmem>> -> memref<1x80x128xf32, #tpu.memory_space<vmem>>
        %dma_wait3A_303 = tpu.memref_squeeze %dma_wait3A_302 : memref<1x80x128xf32, #tpu.memory_space<vmem>> -> memref<80x128xf32, #tpu.memory_space<vmem>>
        %dma_wait3A_304 = arith.constant 0 : i32
        %dma_wait3A_305 = tpu.memref_slice %arg4[%add3A_298, %dma_wait3A_304] : memref<320000x128xf32, #tpu.memory_space<hbm>> -> memref<80x128xf32, #tpu.memory_space<hbm>>
        %dma_wait3A_306 = arith.constant 0 : i32
        %dma_wait3A_307 = tpu.memref_slice %arg4[%add3A_298, %dma_wait3A_306] : memref<320000x128xf32, #tpu.memory_space<hbm>> -> memref<80x128xf32, #tpu.memory_space<hbm>>
        %dma_wait3A_308 = arith.constant 0 : i32
        %dma_wait3A_309 = arith.constant 0 : i32
        %dma_wait3A_310 = tpu.memref_slice %arg7[%dma_wait3A_299, %dma_wait3A_308, %dma_wait3A_309] : memref<3x80x128xf32, #tpu.memory_space<vmem>> -> memref<1x80x128xf32, #tpu.memory_space<vmem>>
        %dma_wait3A_311 = tpu.memref_squeeze %dma_wait3A_310 : memref<1x80x128xf32, #tpu.memory_space<vmem>> -> memref<80x128xf32, #tpu.memory_space<vmem>>
        tpu.wait_dma2 semaphore(%arg12 : memref<!tpu.dma_semaphore, #tpu.memory_space<semaphore_mem>>) src(%dma_wait3A_311 : memref<80x128xf32, #tpu.memory_space<vmem>>) dst(%dma_wait3A_307 : memref<80x128xf32, #tpu.memory_space<hbm>>)
        %dma_start3A_312 = arith.constant 1 : i32
        %dma_start3A_313 = arith.constant 0 : i32
        %dma_start3A_314 = arith.constant 0 : i32
        %dma_start3A_315 = tpu.memref_slice %arg7[%dma_start3A_312, %dma_start3A_313, %dma_start3A_314] : memref<3x80x128xf32, #tpu.memory_space<vmem>> -> memref<1x80x128xf32, #tpu.memory_space<vmem>>
        %dma_start3A_316 = tpu.memref_squeeze %dma_start3A_315 : memref<1x80x128xf32, #tpu.memory_space<vmem>> -> memref<80x128xf32, #tpu.memory_space<vmem>>
        %dma_start3A_317 = arith.constant 0 : i32
        %dma_start3A_318 = tpu.memref_slice %arg6[%add3A_279, %dma_start3A_317] : memref<125x80xi32, #tpu.memory_space<vmem>> -> memref<1x80xi32, #tpu.memory_space<vmem>>
        %dma_start3A_319 = tpu.memref_squeeze %dma_start3A_318 : memref<1x80xi32, #tpu.memory_space<vmem>> -> memref<80xi32, #tpu.memory_space<vmem>>
        %dma_start3A_320 = arith.constant 0 : i32
        %dma_start3A_321 = arith.constant 0 : i32
        %dma_start3A_322 = tpu.memref_slice %arg5[%dma_start3A_320, %dma_start3A_321] : memref<10000x128xf32, #tpu.memory_space<vmem_shared>> -> memref<10000x128xf32, #tpu.memory_space<vmem_shared>>
        tpu.enqueue_indirect_dma source(%dma_start3A_322 : memref<10000x128xf32, #tpu.memory_space<vmem_shared>>) target(%dma_start3A_316 : memref<80x128xf32, #tpu.memory_space<vmem>>) offsets(%dma_start3A_319 : memref<80xi32, #tpu.memory_space<vmem>>) semaphore(%arg9 : memref<!tpu.dma_semaphore, #tpu.memory_space<semaphore_mem>>)
      } else {
      }
      %add3A_285 = arith.constant 2 : i32
      %add3A_286 = arith.addi %mul3A_246, %add3A_285 : i32
      %add3A_287 = arith.constant 3 : i32
      %add3A_288 = arith.addi %add3A_286, %add3A_287 : i32
      %lt3A_289 = arith.constant 125 : i32
      %lt3A_290 = arith.cmpi slt, %add3A_288, %lt3A_289 : i32
      %convert_element_type3A_291 = arith.extui %lt3A_290 : i1 to i32
      %cond3A_292 = arith.constant 0 : i32
      %cond3A_293 = arith.cmpi ne, %convert_element_type3A_291, %cond3A_292 : i32
      scf.if %cond3A_293 {
        %add3A_294 = arith.constant 2 : i32
        %add3A_295 = arith.addi %mul3A_246, %add3A_294 : i32
        %mul3A_296 = arith.constant 80 : i32
        %mul3A_297 = arith.muli %add3A_295, %mul3A_296 : i32
        %add3A_298 = arith.addi %mul3A_2, %mul3A_297 : i32
        %dma_wait3A_299 = arith.constant 2 : i32
        %dma_wait3A_300 = arith.constant 0 : i32
        %dma_wait3A_301 = arith.constant 0 : i32
        %dma_wait3A_302 = tpu.memref_slice %arg7[%dma_wait3A_299, %dma_wait3A_300, %dma_wait3A_301] : memref<3x80x128xf32, #tpu.memory_space<vmem>> -> memref<1x80x128xf32, #tpu.memory_space<vmem>>
        %dma_wait3A_303 = tpu.memref_squeeze %dma_wait3A_302 : memref<1x80x128xf32, #tpu.memory_space<vmem>> -> memref<80x128xf32, #tpu.memory_space<vmem>>
        %dma_wait3A_304 = arith.constant 0 : i32
        %dma_wait3A_305 = tpu.memref_slice %arg4[%add3A_298, %dma_wait3A_304] : memref<320000x128xf32, #tpu.memory_space<hbm>> -> memref<80x128xf32, #tpu.memory_space<hbm>>
        %dma_wait3A_306 = arith.constant 0 : i32
        %dma_wait3A_307 = tpu.memref_slice %arg4[%add3A_298, %dma_wait3A_306] : memref<320000x128xf32, #tpu.memory_space<hbm>> -> memref<80x128xf32, #tpu.memory_space<hbm>>
        %dma_wait3A_308 = arith.constant 0 : i32
        %dma_wait3A_309 = arith.constant 0 : i32
        %dma_wait3A_310 = tpu.memref_slice %arg7[%dma_wait3A_299, %dma_wait3A_308, %dma_wait3A_309] : memref<3x80x128xf32, #tpu.memory_space<vmem>> -> memref<1x80x128xf32, #tpu.memory_space<vmem>>
        %dma_wait3A_311 = tpu.memref_squeeze %dma_wait3A_310 : memref<1x80x128xf32, #tpu.memory_space<vmem>> -> memref<80x128xf32, #tpu.memory_space<vmem>>
        tpu.wait_dma2 semaphore(%arg13 : memref<!tpu.dma_semaphore, #tpu.memory_space<semaphore_mem>>) src(%dma_wait3A_311 : memref<80x128xf32, #tpu.memory_space<vmem>>) dst(%dma_wait3A_307 : memref<80x128xf32, #tpu.memory_space<hbm>>)
        %dma_start3A_312 = arith.constant 2 : i32
        %dma_start3A_313 = arith.constant 0 : i32
        %dma_start3A_314 = arith.constant 0 : i32
        %dma_start3A_315 = tpu.memref_slice %arg7[%dma_start3A_312, %dma_start3A_313, %dma_start3A_314] : memref<3x80x128xf32, #tpu.memory_space<vmem>> -> memref<1x80x128xf32, #tpu.memory_space<vmem>>
        %dma_start3A_316 = tpu.memref_squeeze %dma_start3A_315 : memref<1x80x128xf32, #tpu.memory_space<vmem>> -> memref<80x128xf32, #tpu.memory_space<vmem>>
        %dma_start3A_317 = arith.constant 0 : i32
        %dma_start3A_318 = tpu.memref_slice %arg6[%add3A_288, %dma_start3A_317] : memref<125x80xi32, #tpu.memory_space<vmem>> -> memref<1x80xi32, #tpu.memory_space<vmem>>
        %dma_start3A_319 = tpu.memref_squeeze %dma_start3A_318 : memref<1x80xi32, #tpu.memory_space<vmem>> -> memref<80xi32, #tpu.memory_space<vmem>>
        %dma_start3A_320 = arith.constant 0 : i32
        %dma_start3A_321 = arith.constant 0 : i32
        %dma_start3A_322 = tpu.memref_slice %arg5[%dma_start3A_320, %dma_start3A_321] : memref<10000x128xf32, #tpu.memory_space<vmem_shared>> -> memref<10000x128xf32, #tpu.memory_space<vmem_shared>>
        tpu.enqueue_indirect_dma source(%dma_start3A_322 : memref<10000x128xf32, #tpu.memory_space<vmem_shared>>) target(%dma_start3A_316 : memref<80x128xf32, #tpu.memory_space<vmem>>) offsets(%dma_start3A_319 : memref<80xi32, #tpu.memory_space<vmem>>) semaphore(%arg10 : memref<!tpu.dma_semaphore, #tpu.memory_space<semaphore_mem>>)
      } else {
      }
    }
    %scan3A_199 = arith.constant 42 : i32
    %add3A_200 = arith.constant 9760 : i32
    %add3A_201 = arith.addi %mul3A_2, %add3A_200 : i32
    %dma_wait3A = arith.constant 2 : i32
    %dma_wait3A_202 = arith.constant 0 : i32
    %dma_wait3A_203 = arith.constant 0 : i32
    %dma_wait3A_204 = tpu.memref_slice %arg7[%dma_wait3A, %dma_wait3A_202, %dma_wait3A_203] : memref<3x80x128xf32, #tpu.memory_space<vmem>> -> memref<1x80x128xf32, #tpu.memory_space<vmem>>
    %dma_wait3A_205 = tpu.memref_squeeze %dma_wait3A_204 : memref<1x80x128xf32, #tpu.memory_space<vmem>> -> memref<80x128xf32, #tpu.memory_space<vmem>>
    %dma_wait3A_206 = arith.constant 0 : i32
    %dma_wait3A_207 = tpu.memref_slice %arg4[%add3A_201, %dma_wait3A_206] : memref<320000x128xf32, #tpu.memory_space<hbm>> -> memref<80x128xf32, #tpu.memory_space<hbm>>
    %dma_wait3A_208 = arith.constant 0 : i32
    %dma_wait3A_209 = tpu.memref_slice %arg4[%add3A_201, %dma_wait3A_208] : memref<320000x128xf32, #tpu.memory_space<hbm>> -> memref<80x128xf32, #tpu.memory_space<hbm>>
    %dma_wait3A_210 = arith.constant 0 : i32
    %dma_wait3A_211 = arith.constant 0 : i32
    %dma_wait3A_212 = tpu.memref_slice %arg7[%dma_wait3A, %dma_wait3A_210, %dma_wait3A_211] : memref<3x80x128xf32, #tpu.memory_space<vmem>> -> memref<1x80x128xf32, #tpu.memory_space<vmem>>
    %dma_wait3A_213 = tpu.memref_squeeze %dma_wait3A_212 : memref<1x80x128xf32, #tpu.memory_space<vmem>> -> memref<80x128xf32, #tpu.memory_space<vmem>>
    tpu.wait_dma2 semaphore(%arg13 : memref<!tpu.dma_semaphore, #tpu.memory_space<semaphore_mem>>) src(%dma_wait3A_213 : memref<80x128xf32, #tpu.memory_space<vmem>>) dst(%dma_wait3A_209 : memref<80x128xf32, #tpu.memory_space<hbm>>)
    %add3A_214 = arith.constant 9840 : i32
    %add3A_215 = arith.addi %mul3A_2, %add3A_214 : i32
    %dma_wait3A_216 = arith.constant 0 : i32
    %dma_wait3A_217 = arith.constant 0 : i32
    %dma_wait3A_218 = arith.constant 0 : i32
    %dma_wait3A_219 = tpu.memref_slice %arg7[%dma_wait3A_216, %dma_wait3A_217, %dma_wait3A_218] : memref<3x80x128xf32, #tpu.memory_space<vmem>> -> memref<1x80x128xf32, #tpu.memory_space<vmem>>
    %dma_wait3A_220 = tpu.memref_squeeze %dma_wait3A_219 : memref<1x80x128xf32, #tpu.memory_space<vmem>> -> memref<80x128xf32, #tpu.memory_space<vmem>>
    %dma_wait3A_221 = arith.constant 0 : i32
    %dma_wait3A_222 = tpu.memref_slice %arg4[%add3A_215, %dma_wait3A_221] : memref<320000x128xf32, #tpu.memory_space<hbm>> -> memref<80x128xf32, #tpu.memory_space<hbm>>
    %dma_wait3A_223 = arith.constant 0 : i32
    %dma_wait3A_224 = tpu.memref_slice %arg4[%add3A_215, %dma_wait3A_223] : memref<320000x128xf32, #tpu.memory_space<hbm>> -> memref<80x128xf32, #tpu.memory_space<hbm>>
    %dma_wait3A_225 = arith.constant 0 : i32
    %dma_wait3A_226 = arith.constant 0 : i32
    %dma_wait3A_227 = tpu.memref_slice %arg7[%dma_wait3A_216, %dma_wait3A_225, %dma_wait3A_226] : memref<3x80x128xf32, #tpu.memory_space<vmem>> -> memref<1x80x128xf32, #tpu.memory_space<vmem>>
    %dma_wait3A_228 = tpu.memref_squeeze %dma_wait3A_227 : memref<1x80x128xf32, #tpu.memory_space<vmem>> -> memref<80x128xf32, #tpu.memory_space<vmem>>
    tpu.wait_dma2 semaphore(%arg11 : memref<!tpu.dma_semaphore, #tpu.memory_space<semaphore_mem>>) src(%dma_wait3A_228 : memref<80x128xf32, #tpu.memory_space<vmem>>) dst(%dma_wait3A_224 : memref<80x128xf32, #tpu.memory_space<hbm>>)
    %add3A_229 = arith.constant 9920 : i32
    %add3A_230 = arith.addi %mul3A_2, %add3A_229 : i32
    %dma_wait3A_231 = arith.constant 1 : i32
    %dma_wait3A_232 = arith.constant 0 : i32
    %dma_wait3A_233 = arith.constant 0 : i32
    %dma_wait3A_234 = tpu.memref_slice %arg7[%dma_wait3A_231, %dma_wait3A_232, %dma_wait3A_233] : memref<3x80x128xf32, #tpu.memory_space<vmem>> -> memref<1x80x128xf32, #tpu.memory_space<vmem>>
    %dma_wait3A_235 = tpu.memref_squeeze %dma_wait3A_234 : memref<1x80x128xf32, #tpu.memory_space<vmem>> -> memref<80x128xf32, #tpu.memory_space<vmem>>
    %dma_wait3A_236 = arith.constant 0 : i32
    %dma_wait3A_237 = tpu.memref_slice %arg4[%add3A_230, %dma_wait3A_236] : memref<320000x128xf32, #tpu.memory_space<hbm>> -> memref<80x128xf32, #tpu.memory_space<hbm>>
    %dma_wait3A_238 = arith.constant 0 : i32
    %dma_wait3A_239 = tpu.memref_slice %arg4[%add3A_230, %dma_wait3A_238] : memref<320000x128xf32, #tpu.memory_space<hbm>> -> memref<80x128xf32, #tpu.memory_space<hbm>>
    %dma_wait3A_240 = arith.constant 0 : i32
    %dma_wait3A_241 = arith.constant 0 : i32
    %dma_wait3A_242 = tpu.memref_slice %arg7[%dma_wait3A_231, %dma_wait3A_240, %dma_wait3A_241] : memref<3x80x128xf32, #tpu.memory_space<vmem>> -> memref<1x80x128xf32, #tpu.memory_space<vmem>>
    %dma_wait3A_243 = tpu.memref_squeeze %dma_wait3A_242 : memref<1x80x128xf32, #tpu.memory_space<vmem>> -> memref<80x128xf32, #tpu.memory_space<vmem>>
    tpu.wait_dma2 semaphore(%arg12 : memref<!tpu.dma_semaphore, #tpu.memory_space<semaphore_mem>>) src(%dma_wait3A_243 : memref<80x128xf32, #tpu.memory_space<vmem>>) dst(%dma_wait3A_239 : memref<80x128xf32, #tpu.memory_space<hbm>>)
    return
  }
}

</mosaic_0001>

<sc_bundles>
// kernel: kernel.3.cloned.1.call-start
scs
__scs_entry_jumppad:
0x0: {  	(pc) =	sbr.rel $0x88, $3  }
0x1: {  	(tag) =	ssettag $0x0;
	lr =	simm.s32 $0x1  }
0x2: {  	[smem:$0x3F9F] =	sst lr;
	_ =	strace $0xD0000000  }
0x3: {  	_ = 	snop  }
0x4: {  	_ = 	snop  }
0x5: {  	_ = 	snop  }
0x6: {  	_ = 	snop  }
0x7: {  	_ = 	snop  }
__scs_overlays_trampoline_lowered:
0x8: {  	[smem:$0x3FAE] =	sst s0  }
0x9: {  	[smem:$0x3FAF] =	sst s1  }
0xa: {  	[smem:$0x3FB0] =	sst s2  }
0xb: {  	[smem:$0x3FB1] =	sst s3  }
0xc: {  	[smem:$0x3FB2] =	sst s4  }
0xd: {  	[smem:$0x3FB3] =	sst s5  }
0xe: {  	[smem:$0x3FB4] =	sst s6  }
0xf: {  	[smem:$0x3FB5] =	sst s7  }
0x10: {  	[smem:$0x3FB6] =	sst s8  }
0x11: {  	[smem:$0x3FB7] =	sst s9;
	s0 =	simm.s32 @!p0 $0x0  }
0x12: {  	s1 =	sld [smem:$0x3F9D];
	s0 =	simm.s32 @p0 $0x1  }
0x13: {  	[smem:$0x3FB8] =	sst s0;
	s0 =	simm.s32 @!p1 $0x0  }
0x14: {  	s2 =	sld [smem:$0x3F9C];
	s0 =	simm.s32 @p1 $0x1  }
0x15: {  	[smem:$0x3FB9] =	sst s0;
	s0 =	simm.s32 @!p2 $0x0  }
0x16: {  	s3 =	sld [smem:$0x3FDB];
	s0 =	simm.s32 @p2 $0x1  }
0x17: {  	s4 =	simm.s32 $0x1BF5;
	[smem:$0x3FBB] =	sst s0  }
0x18: {  	s0 =	sld [smem:$0x3F9E];
	_ =	swait.ge [sflag:s4], $0x0  }
0x19: {  	s7 =	sld [smem:$0x3F9F]  }
0x1a: {  	s8 =	sadd.s32 $0xFFFFE003, lr  }
0x1b: {  	s9 =	sadd.s32 $0xFFFFFEF7, lr;
	s5 =	simm.s32 $0xFFFFFFFF;
	p2 =	slt.u32 s8, $0xFFFFF086  }
0x1c: {  	p1 =	slt.u32 s9, $0xF7A;
	s5 =	simm.s32 @!p2 $0x0  }
0x1d: {  	s5 =	simm.s32 @p1 $0x1;
	p0 =	seq.s32 s7, s2  }
0x1e: {  	s7 =	smul.u32 @!p0 $0xF7A, s2;
	p2 =	seq.s32 @!p0 s5, $0x0  }
0x1f: {  	s9 =	smul.u32 $0xF7A, s1;
	s8 =	simm.s32 @!p0 $0x1BF5;
	p2 =	por !p2, p0  }
0x20: {  	[sflag:s8] =	ssyncset.s32 @!p0 $0xFFFFF086;
	s6 =	sadd.s32 @!p0 s3, s7;
	s7 =	simm.s32 @!p0 $0x108  }
0x21: {  	s3 =	sadd.s32 s3, s9;
	s6 =	sadd.s32 @!p0 $0x88, s6;
	s7 =	simm.s32 @p2 $0x1082  }
0x22: {  	[simem:s7], [sflag:s8] =	dma.local @!p0 [hbm:s6], $0xF7A  }
0x23: {  	s9 =	sor.u32 $0xD0000000, s2;
	s6 =	simm.s32 $0x108;
	_ =	swait.ge @!p0 [sflag:s8], $0x0  }
0x24: {  	s3 =	sadd.s32 $0x88, s3;
	s6 =	simm.s32 @!p1 $0x1082;
	[sflag:s4] =	ssyncset.s32 $0xFFFFF086  }
0x25: {  	[simem:s6], [sflag:s4] =	dma.local [hbm:s3], $0xF7A  }
0x26: {  	[smem:$0x3F9F] =	sst s1;
	(tag) =	ssettag s2;
	_ =	strace s9  }
0x27: {  	s1 =	sld [smem:$0x3FAF]  }
0x28: {  	s2 =	sld [smem:$0x3FB0]  }
0x29: {  	s4 =	sld [smem:$0x3FB2]  }
0x2a: {  	p0 =	seq.s32 s5, $0x0;
	s5 =	sld [smem:$0x3FB3]  }
0x2b: {  	s6 =	sld [smem:$0x3FB4]  }
0x2c: {  	s7 =	sld [smem:$0x3FB5]  }
0x2d: {  	s3 =	simm.s32 $0x108;
	s8 =	sld [smem:$0x3FB6]  }
0x2e: {  	s3 =	simm.s32 @!p0 $0x1082;
	s9 =	sld [smem:$0x3FB7]  }
0x2f: {  	lr =	sadd.s32 s0, s3;
	s0 =	sld [smem:$0x3FAE]  }
0x30: {  	s3 =	sld [smem:$0x3FB1]  }
0x31: {  	[smem:$0x3FBA] =	sst s10  }
0x32: {  	s10 =	sld [smem:$0x3FB8];
	_ =	sdelay $0x3  }
0x33: {  	p0 =	seq.s32 s10, $0x1;
	s10 =	sld [smem:$0x3FBA];
	_ =	sdelay $0x3  }
0x34: {  	[smem:$0x3FBA] =	sst s10  }
0x35: {  	s10 =	sld [smem:$0x3FB9];
	_ =	sdelay $0x3  }
0x36: {  	p1 =	seq.s32 s10, $0x1;
	s10 =	sld [smem:$0x3FBA];
	_ =	sdelay $0x3  }
0x37: {  	[smem:$0x3FBA] =	sst s10  }
0x38: {  	s10 =	sld [smem:$0x3FBB]  }
0x39: {  	_ = 	snop;
	(pc) =	sbr.ind lr, $3  }
0x3a: {  	_ = 	snop  }
0x3b: {  	_ = 	snop  }
0x3c: {  	p2 =	seq.s32 s10, $0x1;
	s10 =	sld [smem:$0x3FBA]  }
0x3d: {  	_ =	shalt  }
0x3e: {  	_ =	shalt  }
0x3f: {  	_ =	shalt  }
0x40: {  	_ =	shalt  }
0x41: {  	_ =	shalt  }
0x42: {  	_ =	shalt  }
0x43: {  	_ =	shalt  }
0x44: {  	_ =	shalt  }
0x45: {  	_ =	shalt  }
0x46: {  	_ =	shalt  }
0x47: {  	_ =	shalt  }
0x48: {  	_ =	shalt  }
0x49: {  	_ =	shalt  }
0x4a: {  	_ =	shalt  }
0x4b: {  	_ =	shalt  }
0x4c: {  	_ =	shalt  }
0x4d: {  	_ =	shalt  }
0x4e: {  	_ =	shalt  }
0x4f: {  	_ =	shalt  }
0x50: {  	_ =	shalt  }
0x51: {  	_ =	shalt  }
0x52: {  	_ =	shalt  }
0x53: {  	_ =	shalt  }
0x54: {  	_ =	shalt  }
0x55: {  	_ =	shalt  }
0x56: {  	_ =	shalt  }
0x57: {  	_ =	shalt  }
0x58: {  	_ =	shalt  }
0x59: {  	_ =	shalt  }
0x5a: {  	_ =	shalt  }
0x5b: {  	_ =	shalt  }
0x5c: {  	_ =	shalt  }
0x5d: {  	_ =	shalt  }
0x5e: {  	_ =	shalt  }
0x5f: {  	_ =	shalt  }
0x60: {  	_ =	shalt  }
0x61: {  	_ =	shalt  }
0x62: {  	_ =	shalt  }
0x63: {  	_ =	shalt  }
0x64: {  	_ =	shalt  }
0x65: {  	_ =	shalt  }
0x66: {  	_ =	shalt  }
0x67: {  	_ =	shalt  }
0x68: {  	_ =	shalt  }
0x69: {  	_ =	shalt  }
0x6a: {  	_ =	shalt  }
0x6b: {  	_ =	shalt  }
0x6c: {  	_ =	shalt  }
0x6d: {  	_ =	shalt  }
0x6e: {  	_ =	shalt  }
0x6f: {  	_ =	shalt  }
0x70: {  	_ =	shalt  }
0x71: {  	_ =	shalt  }
0x72: {  	_ =	shalt  }
0x73: {  	_ =	shalt  }
0x74: {  	_ =	shalt  }
0x75: {  	_ =	shalt  }
0x76: {  	_ =	shalt  }
0x77: {  	_ =	shalt  }
0x78: {  	_ =	shalt  }
0x79: {  	_ =	shalt  }
0x7a: {  	_ =	shalt  }
0x7b: {  	_ =	shalt  }
0x7c: {  	_ =	shalt  }
0x7d: {  	_ =	shalt  }
0x7e: {  	_ =	shalt  }
0x7f: {  	_ =	shalt  }
0x80: {  	_ =	shalt  }
0x81: {  	_ =	shalt  }
0x82: {  	_ =	shalt  }
0x83: {  	_ =	shalt  }
0x84: {  	_ =	shalt  }
0x85: {  	_ =	shalt  }
0x86: {  	_ =	shalt  }
0x87: {  	_ =	shalt  }
.Lfunc_end0:
.L_simem_size_0:
called_computation_lowered:
.L_overlay_start_0:
0x88: {  	s2 =	sld [smem:$0x3FD9]  }
0x89: {  	s3 =	sld [smem:$0x3FFE];
	_ =	sdelay $0x1  }
0x8a: {  	s1 =	srdreg.scid  }
0x8b: {  	s0 =	sand.u32 $0x1, s1  }
0x8c: {  	s17 =	sshll.u32 s0, $0xA;
	s2 =	sadd.s32 s3, s2  }
0x8d: {  	s2 =	sadd.s32 s2, s17  }
0x8e: {  	[smem:$0x3FC6] =	sst s2  }
0x8f: {  	_ = 	snop  }
0x90: {  	s2 =	sld [smem:$0x3FC9]  }
0x91: {  	s18 =	sld [smem:$0x3FD0];
	(tm) =	ssettm $0x1  }
0x92: {  	s4 =	sld [smem:$0x3FFB];
	_ =	sdelay $0x3  }
0x93: {  	_ =	strace s4  }
0x94: {  	s4 =	sld [smem:$0x3FFC];
	_ =	sdelay $0x3  }
0x95: {  	_ =	strace s4  }
0x96: {  	s4 =	sld [smem:$0x3FFD];
	_ =	sdelay $0x3  }
0x97: {  	_ =	strace s4  }
0x98: {  	_ =	strace $0x8FFFFFFF  }
0x99: {  	s19 =	sld [smem:$0x3FDB];
	_ =	sdelay $0x1  }
0x9a: {  	s5 =	simm.s32 $_scs_section_size  }
0x9b: {  	s6 =	simm.s32 $_size__tile_overlayer_lowered;
	s7 =	simm.s32 $_tile_overlayer_lowered  }
0x9c: {  	s22 =	simm.s32 $0x1BFF;
	s21 =	sshll.u32 s7, $0x1;
	s4 =	sadd.s32 s5, s19  }
0x9d: {  	s8 =	simm.s32 $0x0;
	s20 =	sshll.u32 s6, $0x1;
	s6 =	sadd.s32 s21, s4  }
0x9e: {  	[timem:s8], [sflag:s22] =	dma.local [hbm:s6], s20  }
0x9f: {  	_ =	swait.ge [sflag:s22], s20  }
0xa0: {  	s5 =	ssub.s32 $0x0, s20;
	[sflag:s22] =	ssyncset.done $0x0  }
0xa1: {  	[sflag:s22] =	ssyncadd.s32 s5;
	_ =	sdelay $0x1  }
0xa2: {  	s23 =	simm.s32 $0x1B8B  }
0xa3: {  	_ =	swait.ge [sflag:s23], $0x1  }
0xa4: {  	[sflag:s23] =	ssyncset.done $0x0  }
0xa5: {  	s25 =	simm.s32 $0x1B8E;
	s24 =	sld [smem:$0x3FFE];
	[sflag:s23] =	ssyncadd.s32 $0xFFFFFFFF  }
0xa6: {  	s26 =	simm.s32 $execute0_lowered;
	[smem:$0x3FD2] =	sst s25  }
0xa7: {  	s6 =	sshll.u32 s26, $0x1;
	_ =	strace $0x80000046;
	[dreg:$0x1] =	wrdreg $0xFFFFFFFF  }
0xa8: {  	s28 =	simm.s32 $_size_execute0_lowered;
	s4 =	sadd.s32 s4, s6;
	[dreg:$0x0] =	wrdreg $0x0  }
0xa9: {  	s6 =	sshll.u32 s28, $0x1;
	[dreg:$0x2] =	wrdreg s4  }
0xaa: {  	[dreg:$0x3] =	wrdreg s6  }
0xab: {  	[dreg:$0x4] =	wrdreg $0xC0  }
0xac: {  	_ =	task [dreg:s8], $0x5FFFF  }
0xad: {  	[dreg:$0x1] =	wrdreg $0xFFFFFFFF  }
0xae: {  	[dreg:$0x0] =	wrdreg $0x60  }
0xaf: {  	[dreg:$0x2] =	wrdreg s2  }
0xb0: {  	[dreg:$0x3] =	wrdreg s24  }
0xb1: {  	[dreg:$0x4] =	wrdreg s18  }
0xb2: {  	[dreg:$0x5] =	wrdreg $0x0  }
0xb3: {  	[dreg:$0x6] =	wrdreg $0x9  }
0xb4: {  	_ =	task.clear_ibuf [dreg:s8], $0x7FFFF;
	_ =	strace $0x90000046  }
0xb5: {  	s29 =	simm.s32 $0x9;
	_ =	strace $0x80000048  }
0xb6: {  	_ =	swait.ge [sflag:s29], $0x1  }
0xb7: {  	[sflag:s29] =	ssyncadd.s32 $0xFFFFFFFF  }
0xb8: {  	_ =	strace $0x90000048  }
0xb9: {  	_ =	sfence  }
0xba: {  	s30 =	sld [smem:$0x0];
	_ =	sdelay $0x2  }
0xbb: {  	s31 =	sshll.u32 s1, $0xD;
	s1 =	sshrl.u32 s1, $0x2  }
0xbc: {  	s3 =	sand.u32 $0x4000, s31;
	s1 =	sadd.s32 s1, s30  }
0xbd: {  	s0 =	sor.u32 s3, s0;
	s1 =	sshll.u32 s1, $0x11  }
0xbe: {  	s0 =	sor.u32 s1, s0  }
0xbf: {  	s0 =	sadd.s32 $0x8F2B, s0  }
0xc0: {  	[sflag:s0] =	ssyncadd.remote.s32 $0x1  }
0xc1: {  	_ =	sfence.sel $0xFFFF  }
0xc2: {  	[dreg:$0x0] =	wrdreg $0xFFFFFFFF;
	(pc) =	sbr.abs _section_cstart, $3  }
0xc3: {  	[dreg:$0x1] =	wrdreg $0xFFFFFFFF  }
0xc4: {  	_ =	task.clear_ibuf [dreg:s8], $0x2FFFF;
	_ =	strace $0x9FFFFFFF  }
0xc5: {  	(tm) =	ssettm $0x7FFFFFFF  }
tec
execute0_lowered:
.L_overlay_start_1:
0x0: {  	(tag) =	ssettag $0x1  }
0x1: {  	s1 =	rddreg [dreg:$0x0]  }
0x2: {  	s0 =	rddreg [dreg:$0x1]  }
0x3: {  	s5 =	rddreg [dreg:$0x2]  }
0x4: {  	s2 =	rddreg [dreg:$0x3];
	s3 =	simm.s32 $0x0  }
0x5: {  	s6 =	srdreg.scid;
	s4 =	stileid.u32;
	s28 =	simm.s32 $0x0  }
0x6: {  	[smem:$0x7FF] =	sst s3;
	s6 =	sand.u32 $0x1, s6;
	s11 =	sadd.s32 $0x128400, s2  }
0x7: {  	s12 =	sadd.s32 $0x25080, s1;
	_ =	strace $0x80000047;
	[dreg:$0x5] =	wrdreg s11  }
0x8: {  	s7 =	sshll.u32 s4, $0xC;
	s13 =	sadd.s32 $0x114800, s2;
	[dreg:$0x6] =	wrdreg s12  }
0x9: {  	s14 =	sadd.s32 $0x22900, s1;
	s15 =	sadd.s32 $0x100C00, s2;
	[dreg:$0x7] =	wrdreg s13  }
0xa: {  	s16 =	sadd.s32 $0x20180, s1;
	s17 =	sadd.s32 $0xED000, s2;
	[dreg:$0x8] =	wrdreg s14  }
0xb: {  	s18 =	sadd.s32 $0x1DA00, s1;
	s19 =	sadd.s32 $0xD9400, s2;
	[dreg:$0x9] =	wrdreg s15  }
0xc: {  	s20 =	sadd.s32 $0x1B280, s1;
	s21 =	sadd.s32 $0xC5800, s2;
	[dreg:$0xa] =	wrdreg s16  }
0xd: {  	s10 =	sadd.s32 $0x62C00, s2;
	p2 =	sgt.s32 s4, $0x1;
	[dreg:$0xb] =	wrdreg s17  }
0xe: {  	p3 =	sgt.s32 s4, $0x5;
	s22 =	sadd.s32 $0x18B00, s1;
	[dreg:$0xc] =	wrdreg s18  }
0xf: {  	s23 =	sadd.s32 $0xB1C00, s2;
	s24 =	sadd.s32 $0x16380, s1;
	[dreg:$0xd] =	wrdreg s19  }
0x10: {  	s25 =	sadd.s32 $0x9E000, s2;
	s26 =	sadd.s32 $0x13C00, s1;
	[dreg:$0xe] =	wrdreg s20  }
0x11: {  	s29 =	sadd.s32 $0x11480, s1;
	s8 =	sshll.u32 s6, $0xB;
	[dreg:$0xf] =	wrdreg s21  }
0x12: {  	s9 =	ssub.s32 $0x2, s6;
	s11 =	sadd.s32 $0x4F000, s2;
	[dreg:$0x17] =	wrdreg s22  }
0x13: {  	s12 =	smul.u32 $0x4E200, s4;
	s13 =	sadd.s32 $0x3B400, s2;
	[dreg:$0x18] =	wrdreg s23  }
0x14: {  	p0 =	seq.s32 @p2 s4, $0x2;
	[dreg:$0x19] =	wrdreg s24;
	s7 =	sor.u32 s8, s7  }
0x15: {  	[dreg:$0x1a] =	wrdreg s25;
	p1 =	por !p0, !p2;
	s0 =	sadd.s32 s7, s0  }
0x16: {  	[dreg:$0x1b] =	wrdreg s26;
	s17 =	sadd.s32 $0x400, s0;
	s0 =	simm.s32 @!p1 $0x0  }
0x17: {  	s5 =	sadd.s32 s12, s5;
	s12 =	sadd.s32 $0x27800, s2;
	s0 =	simm.s32 @p1 $0x1  }
0x18: {  	[smem:$0x7F2] =	sst s0;
	s0 =	sshrl.u32 @!p1 s12, $0x3;
	p1 =	por p0, !p2  }
0x19: {  	s6 =	smul.u32 $0x27100, s6;
	[dreg:$0x10] =	wrdreg s0;
	s0 =	simm.s32 @!p1 $0x0  }
0x1a: {  	[dreg:$0x1c] =	wrdreg s29;
	s14 =	simm.s32 $0x17880;
	s0 =	simm.s32 @p1 $0x1  }
0x1b: {  	s15 =	simm.s32 $0x13900;
	[smem:$0x7F3] =	sst s0;
	s0 =	sshrl.u32 @!p1 s13, $0x3  }
0x1c: {  	p0 =	seq.s32 @!p2 s4, $0x0;
	[dreg:$0x11] =	wrdreg s0;
	s0 =	simm.s32 @!p2 $0x0  }
0x1d: {  	p4 =	por p0, p2;
	p0 =	por !p0, p2;
	s0 =	simm.s32 @p2 $0x1  }
0x1e: {  	s19 =	simm.s32 $0x1A080;
	[smem:$0x7F4] =	sst s0;
	s0 =	simm.s32 @!p0 $0x0  }
0x1f: {  	s20 =	simm.s32 $0x13980;
	s21 =	simm.s32 $0x1C880;
	s0 =	simm.s32 @p0 $0x1  }
0x20: {  	s16 =	sadd.s32 s6, s5;
	[smem:$0x7F5] =	sst s0;
	s0 =	simm.s32 @!p4 $0x0  }
0x21: {  	s5 =	sadd.s32 $0x13C00, s2;
	p1 =	seq.s32 @p3 s4, $0x6;
	s0 =	simm.s32 @p4 $0x1  }
0x22: {  	p0 =	por !p1, !p3;
	[smem:$0x7F6] =	sst s0;
	s0 =	sshrl.u32 @!p4 s5, $0x3  }
0x23: {  	s30 =	sshrl.u32 s9, $0x1;
	[dreg:$0x12] =	wrdreg s0;
	s0 =	simm.s32 @!p0 $0x0  }
0x24: {  	s31 =	ssub.s32 s9, s30;
	s9 =	sadd.s32 $0x76800, s2;
	s0 =	simm.s32 @p0 $0x1  }
0x25: {  	p1 =	por p1, !p3;
	[smem:$0x7F7] =	sst s0;
	s0 =	sshrl.u32 @!p0 s9, $0x3  }
0x26: {  	s22 =	simm.s32 $0x1;
	[dreg:$0x13] =	wrdreg s0;
	s0 =	simm.s32 @!p1 $0x0  }
0x27: {  	s23 =	simm.s32 $0x2;
	s8 =	sadd.s32 $0x8A400, s2;
	s0 =	simm.s32 @p1 $0x1  }
0x28: {  	s24 =	simm.s32 $0x6;
	[smem:$0x7F8] =	sst s0;
	s0 =	sshrl.u32 @!p1 s8, $0x3  }
0x29: {  	p0 =	seq.s32 @!p3 s4, $0x4;
	[dreg:$0x14] =	wrdreg s0;
	s0 =	simm.s32 @!p3 $0x0  }
0x2a: {  	s25 =	simm.s32 $0x4;
	p1 =	por !p0, p3;
	s0 =	simm.s32 @p3 $0x1  }
0x2b: {  	s30 =	sadd.s32 $0xED00, s1;
	[smem:$0x7F9] =	sst s0;
	s0 =	simm.s32 @!p1 $0x0  }
0x2c: {  	s18 =	smax.u32 s31, $0x1;
	[dreg:$0x1d] =	wrdreg s30;
	s0 =	simm.s32 @p1 $0x1  }
0x2d: {  	p0 =	por p0, p3;
	[smem:$0x7FA] =	sst s0;
	s0 =	sshrl.u32 @!p1 s11, $0x3  }
0x2e: {  	s31 =	sadd.s32 $0xC580, s1;
	[dreg:$0x15] =	wrdreg s0;
	s0 =	simm.s32 @!p0 $0x0  }
0x2f: {  	s26 =	simm.s32 $0x5;
	[dreg:$0x1e] =	wrdreg s31;
	s0 =	simm.s32 @p0 $0x1  }
0x30: {  	[smem:$0x7FB] =	sst s0;
	s0 =	sshrl.u32 @!p0 s10, $0x3;
	p0 =	sgt.s32 s4, $0x7  }
0x31: {  	s7 =	sadd.s32 $0x9E00, s1;
	[dreg:$0x16] =	wrdreg s0;
	s0 =	simm.s32 @!p0 $0x0  }
0x32: {  	s12 =	simm.s32 $0x8;
	s0 =	simm.s32 @p0 $0x1;
	p0 =	sgt.s32 s4, $0x3  }
0x33: {  	s13 =	simm.s32 $0x50;
	[smem:$0x7FC] =	sst s0;
	s0 =	simm.s32 @!p0 $0x0  }
0x34: {  	s9 =	sadd.s32 $0x4F00, s1;
	s8 =	sadd.s32 $0x7680, s1;
	s0 =	simm.s32 @p0 $0x1  }
0x35: {  	s11 =	simm.s32 $0x13880;
	s10 =	sadd.s32 $0x2780, s1;
	[smem:$0x7FD] =	sst s0  }
.LBB2_1:
0x36: {  	s0 =	sld [smem:$0x7FC];
	_ =	sdelay $0x2  }
0x37: {  	p0 =	seq.s32 s0, $0x1  }
.Ltmp0:
0x38: {  	_ = 	snop;
	(pc) =	sbr.rel @p0 .LBB2_5-.Ltmp0, $1  }
0x39: {  	_ =	sdelay $0x3  }
0x3a: {  	s0 =	sld [smem:$0x7FD];
	_ =	sdelay $0x2  }
0x3b: {  	p0 =	seq.s32 s0, $0x1  }
.Ltmp1:
0x3c: {  	_ = 	snop;
	(pc) =	sbr.rel @p0 .LBB2_4-.Ltmp1, $1  }
0x3d: {  	_ =	sdelay $0x3  }
0x3e: {  	s0 =	sld [smem:$0x7F2];
	_ =	sdelay $0x2  }
0x3f: {  	p5 =	seq.s32 s0, $0x1  }
0x40: {  	s0 =	rddreg [dreg:$0x10];
	s29 =	simm.s32 @!p5 $0x1C87  }
0x41: {  	[spmem:s0], [sflag:s29] =	dma.local @!p5 [hbm:s9], $0x2780  }
0x42: {  	s0 =	sld [smem:$0x7F3];
	_ =	sdelay $0x2  }
0x43: {  	p0 =	seq.s32 s0, $0x1  }
0x44: {  	s0 =	rddreg [dreg:$0x11];
	s29 =	simm.s32 @!p0 $0x1CC7  }
0x45: {  	[spmem:s0], [sflag:s29] =	dma.local @!p0 [hbm:s8], $0x2780  }
0x46: {  	s0 =	sld [smem:$0x7F5];
	_ =	sdelay $0x2  }
0x47: {  	p2 =	seq.s32 s0, $0x1  }
0x48: {  	s29 =	sshrl.u32 @!p2 s2, $0x3;
	s30 =	simm.s32 @!p2 $0x1C07  }
0x49: {  	[spmem:s29], [sflag:s30] =	dma.local @!p2 [hbm:s1], $0x2780  }
0x4a: {  	s29 =	sld [smem:$0x7F6]  }
0x4b: {  	p1 =	por @!p5 $0x0, $0x0  }
0x4c: {  	p4 =	por @!p0 $0x1, $0x1;
	p3 =	por @!p0 $0x0, $0x0;
	p6 =	por @!p0 $0x0, $0x0  }
0x4d: {  	p3 =	por @!p5 p1, p1;
	p4 =	por @!p5 p1, p1;
	p0 =	seq.s32 s29, $0x1  }
0x4e: {  	p1 =	por @!p5 $0x1, $0x1;
	s0 =	rddreg [dreg:$0x12];
	s29 =	simm.s32 @!p0 $0x1C47  }
0x4f: {  	[spmem:s0], [sflag:s29] =	dma.local @!p0 [hbm:s10], $0x2780  }
0x50: {  	p6 =	por @!p5 p1, p1;
	s30 =	sld [smem:$0x7F4]  }
0x51: {  	p5 =	por @!p2 $0x0, $0x0;
	p1 =	por @!p0 $0x0, $0x0;
	s0 =	simm.s32 @!p4 $0x0  }
0x52: {  	p1 =	por @!p2 p5, p5;
	s0 =	simm.s32 @p4 $0x1;
	p4 =	por @!p0 $0x1, $0x1  }
0x53: {  	p0 =	por p3, p3;
	p4 =	por @!p2 p5, p5;
	p2 =	seq.s32 s30, $0x1  }
0x54: {  	p0 =	por @!p2 p4, p4  }
0x55: {  	[smem:$0x7EE] =	sst s0;
	p5 =	por p3, p3;
	s0 =	simm.s32 @!p0 $0x0  }
0x56: {  	p5 =	por @!p2 p1, p1;
	s0 =	simm.s32 @p0 $0x1  }
0x57: {  	p4 =	por p3, p3;
	[smem:$0x7E7] =	sst s0;
	s0 =	simm.s32 @!p5 $0x0  }
0x58: {  	p4 =	por @!p2 p1, p1;
	s0 =	simm.s32 @p5 $0x1  }
0x59: {  	[smem:$0x7E8] =	sst s0;
	s0 =	simm.s32 @!p4 $0x0  }
0x5a: {  	s0 =	simm.s32 @p4 $0x1;
	p4 =	por p3, p3  }
0x5b: {  	p4 =	por @!p2 p1, p1  }
0x5c: {  	p5 =	por p3, p3;
	[smem:$0x7E9] =	sst s0;
	s0 =	simm.s32 @!p4 $0x0  }
0x5d: {  	p5 =	por @!p2 p1, p1;
	s0 =	simm.s32 @p4 $0x1  }
0x5e: {  	p4 =	por p3, p3;
	[smem:$0x7EA] =	sst s0;
	s0 =	simm.s32 @!p5 $0x0  }
0x5f: {  	s31 =	sld [smem:$0x7EE];
	p4 =	por @!p2 p1, p1;
	s0 =	simm.s32 @p5 $0x1  }
0x60: {  	p5 =	por p3, p3;
	[smem:$0x7EB] =	sst s0;
	s0 =	simm.s32 @!p4 $0x0  }
0x61: {  	p5 =	por @!p2 p1, p1;
	s0 =	simm.s32 @p4 $0x1  }
0x62: {  	p4 =	seq.s32 s31, $0x1;
	[smem:$0x7EC] =	sst s0;
	s0 =	simm.s32 @!p5 $0x0  }
0x63: {  	p4 =	por @!p2 p1, p1;
	s0 =	simm.s32 @p5 $0x1  }
0x64: {  	[smem:$0x7ED] =	sst s0;
	s0 =	simm.s32 @!p4 $0x0  }
0x65: {  	s0 =	simm.s32 @p4 $0x1;
	p4 =	por p3, p3  }
0x66: {  	p4 =	por @!p2 p1, p1  }
0x67: {  	p0 =	por p3, p3;
	[smem:$0x7EE] =	sst s0;
	s0 =	simm.s32 @!p4 $0x0  }
0x68: {  	p0 =	por @!p2 p1, p1;
	s0 =	simm.s32 @p4 $0x1;
	p4 =	por p3, p3  }
.Ltmp2:
0x69: {  	[smem:$0x7EF] =	sst s0;
	s0 =	simm.s32 @!p0 $0x0;
	(pc) =	sbr.rel .LBB2_8-.Ltmp2, $4  }
0x6a: {  	p6 =	por @!p2 p1, p1;
	p4 =	por @!p2 p1, p1;
	s0 =	simm.s32 @p0 $0x1  }
0x6b: {  	p5 =	por p3, p3;
	[smem:$0x7F0] =	sst s0;
	s0 =	simm.s32 @!p4 $0x0  }
0x6c: {  	p5 =	por @!p2 p1, p1;
	s0 =	simm.s32 @p4 $0x1;
	p4 =	por p3, p3  }
0x6d: {  	p3 =	por @!p2 p1, p1;
	[smem:$0x7F1] =	sst s0;
	p4 =	por @!p2 p1, p1  }
.LBB2_5:
0x6e: {  	p0 =	sgt.s32 s4, $0xB  }
.Ltmp3:
0x6f: {  	_ = 	snop;
	(pc) =	sbr.rel @p0 .LBB2_7-.Ltmp3, $1  }
0x70: {  	_ =	sdelay $0x3  }
0x71: {  	p1 =	sgt.s32 s4, $0x9  }
0x72: {  	p2 =	seq.s32 @p1 s4, $0xA  }
0x73: {  	s0 =	rddreg [dreg:$0xf];
	p0 =	por !p2, !p1;
	p2 =	por p2, !p1  }
0x74: {  	s29 =	sshrl.u32 @!p0 s0, $0x3;
	s30 =	simm.s32 @!p0 $0x1E87;
	s0 =	rddreg [dreg:$0x17]  }
0x75: {  	[spmem:s29], [sflag:s30] =	dma.local @!p0 [hbm:s0], $0x2780  }
0x76: {  	p5 =	por @!p2 $0x0, $0x0;
	s0 =	rddreg [dreg:$0xd]  }
0x77: {  	s30 =	simm.s32 @!p2 $0x1EC7;
	s29 =	sshrl.u32 @!p2 s0, $0x3;
	s0 =	rddreg [dreg:$0xe]  }
0x78: {  	[spmem:s29], [sflag:s30] =	dma.local @!p2 [hbm:s0], $0x2780  }
0x79: {  	s0 =	simm.s32 @!p5 $0x0  }
0x7a: {  	p3 =	seq.s32 @!p1 s4, $0x8;
	s0 =	simm.s32 @p5 $0x1  }
0x7b: {  	p4 =	por !p3, p1;
	[smem:$0x7F1] =	sst s0  }
0x7c: {  	s30 =	simm.s32 @!p4 $0x1E07;
	s0 =	rddreg [dreg:$0x1a]  }
0x7d: {  	p2 =	por @!p2 $0x1, $0x1;
	s29 =	sshrl.u32 @!p4 s0, $0x3;
	s0 =	rddreg [dreg:$0x1b]  }
0x7e: {  	[spmem:s29], [sflag:s30] =	dma.local @!p4 [hbm:s0], $0x2780  }
0x7f: {  	s0 =	simm.s32 @!p2 $0x0  }
0x80: {  	s0 =	simm.s32 @p2 $0x1  }
0x81: {  	[smem:$0x7EA] =	sst s0  }
0x82: {  	p2 =	por p3, p1;
	s0 =	rddreg [dreg:$0x18]  }
0x83: {  	s30 =	simm.s32 @!p2 $0x1E47;
	s29 =	sshrl.u32 @!p2 s0, $0x3;
	s0 =	rddreg [dreg:$0x19]  }
0x84: {  	[spmem:s29], [sflag:s30] =	dma.local @!p2 [hbm:s0], $0x2780  }
0x85: {  	s0 =	sld [smem:$0x7EA];
	_ =	sdelay $0x1  }
0x86: {  	p6 =	por @!p0 $0x0, $0x0;
	p3 =	por p5, p5  }
0x87: {  	p5 =	por @!p0 $0x0, $0x0;
	p3 =	por @!p0 p6, p6;
	p6 =	seq.s32 s0, $0x1  }
0x88: {  	p6 =	por @!p0 p5, p5  }
0x89: {  	s6 =	sld [smem:$0x7F1];
	s0 =	simm.s32 @!p6 $0x0  }
0x8a: {  	p5 =	por @!p2 $0x0, $0x0;
	s0 =	simm.s32 @p6 $0x1  }
0x8b: {  	[smem:$0x7EA] =	sst s0;
	s0 =	simm.s32 @!p5 $0x0  }
0x8c: {  	p6 =	por @!p0 $0x1, $0x1;
	s0 =	simm.s32 @p5 $0x1;
	p5 =	seq.s32 s6, $0x1  }
0x8d: {  	p5 =	por @!p0 p6, p6  }
0x8e: {  	[smem:$0x7E5] =	sst s0;
	s0 =	simm.s32 @!p5 $0x0  }
0x8f: {  	p0 =	por @!p4 $0x0, $0x0;
	s0 =	simm.s32 @p5 $0x1;
	p5 =	por @!p2 $0x1, $0x1  }
0x90: {  	s29 =	sld [smem:$0x7E5];
	p5 =	por @!p4 p0, p0  }
0x91: {  	[smem:$0x7F1] =	sst s0;
	s0 =	simm.s32 @!p5 $0x0  }
0x92: {  	s0 =	simm.s32 @p5 $0x1  }
0x93: {  	[smem:$0x7E6] =	sst s0  }
0x94: {  	p6 =	seq.s32 s29, $0x1;
	s0 =	sld [smem:$0x7E6]  }
0x95: {  	p2 =	por p6, p6  }
0x96: {  	p5 =	por @!p4 $0x1, $0x1;
	p2 =	por @!p4 p0, p0  }
0x97: {  	p0 =	por p3, p3;
	p6 =	por @!p4 p5, p5;
	p4 =	seq.s32 s0, $0x1  }
0x98: {  	p0 =	por @!p1 p4, p4  }
0x99: {  	p4 =	por p3, p3;
	s0 =	simm.s32 @!p0 $0x0  }
0x9a: {  	p4 =	por @!p1 p6, p6;
	s0 =	simm.s32 @p0 $0x1  }
0x9b: {  	p0 =	por p3, p3;
	[smem:$0x7EB] =	sst s0;
	s0 =	simm.s32 @!p4 $0x0  }
0x9c: {  	p0 =	por @!p1 p2, p2;
	s0 =	simm.s32 @p4 $0x1  }
0x9d: {  	[smem:$0x7F0] =	sst s0;
	s0 =	simm.s32 @!p0 $0x0  }
0x9e: {  	s30 =	sld [smem:$0x7EA];
	s0 =	simm.s32 @p0 $0x1;
	p0 =	por p3, p3  }
0x9f: {  	p0 =	por @!p1 p2, p2  }
0xa0: {  	[smem:$0x7E8] =	sst s0;
	s0 =	simm.s32 @!p0 $0x0  }
0xa1: {  	s0 =	simm.s32 @p0 $0x1;
	p0 =	seq.s32 s30, $0x1  }
0xa2: {  	p0 =	por @!p1 p2, p2  }
0xa3: {  	[smem:$0x7E9] =	sst s0;
	s0 =	simm.s32 @!p0 $0x0  }
0xa4: {  	s0 =	simm.s32 @p0 $0x1;
	p0 =	por p3, p3  }
0xa5: {  	p0 =	por @!p1 p2, p2  }
0xa6: {  	p4 =	por p3, p3;
	[smem:$0x7EA] =	sst s0;
	s0 =	simm.s32 @!p0 $0x0  }
0xa7: {  	p4 =	por @!p1 p2, p2;
	s0 =	simm.s32 @p0 $0x1  }
0xa8: {  	[smem:$0x7EC] =	sst s0;
	s0 =	simm.s32 @!p4 $0x0  }
0xa9: {  	s0 =	simm.s32 @p4 $0x1;
	p4 =	por p3, p3  }
0xaa: {  	p4 =	por @!p1 p2, p2  }
0xab: {  	p0 =	por p3, p3;
	[smem:$0x7ED] =	sst s0;
	s0 =	simm.s32 @!p4 $0x0  }
0xac: {  	s31 =	sld [smem:$0x7F1];
	p0 =	por @!p1 p2, p2;
	s0 =	simm.s32 @p4 $0x1  }
0xad: {  	p4 =	por p3, p3;
	[smem:$0x7EE] =	sst s0;
	s0 =	simm.s32 @!p0 $0x0  }
0xae: {  	p4 =	por @!p1 p2, p2;
	s0 =	simm.s32 @p0 $0x1  }
0xaf: {  	p5 =	por p3, p3;
	[smem:$0x7E7] =	sst s0;
	s0 =	simm.s32 @!p4 $0x0  }
.Ltmp4:
0xb0: {  	s0 =	simm.s32 @p4 $0x1;
	p4 =	seq.s32 s31, $0x1;
	(pc) =	sbr.rel .LBB2_8-.Ltmp4, $4  }
0xb1: {  	p5 =	por @!p1 p2, p2;
	p4 =	por @!p1 p2, p2  }
0xb2: {  	p6 =	por p3, p3;
	[smem:$0x7EF] =	sst s0;
	s0 =	simm.s32 @!p4 $0x0  }
0xb3: {  	p6 =	por @!p1 p2, p2;
	s0 =	simm.s32 @p4 $0x1;
	p4 =	por p3, p3  }
0xb4: {  	p3 =	por @!p1 p2, p2;
	[smem:$0x7F1] =	sst s0;
	p4 =	por @!p1 p2, p2  }
.LBB2_4:
0xb5: {  	s0 =	sld [smem:$0x7F7];
	_ =	sdelay $0x2  }
0xb6: {  	s5 =	rddreg [dreg:$0x1d];
	p2 =	seq.s32 s0, $0x1  }
0xb7: {  	s0 =	rddreg [dreg:$0x13];
	s29 =	simm.s32 @!p2 $0x1D87  }
0xb8: {  	[spmem:s0], [sflag:s29] =	dma.local @!p2 [hbm:s5], $0x2780  }
0xb9: {  	s0 =	sld [smem:$0x7F8];
	_ =	sdelay $0x2  }
0xba: {  	p1 =	por @!p2 $0x0, $0x0;
	s5 =	rddreg [dreg:$0x1c];
	p3 =	seq.s32 s0, $0x1  }
0xbb: {  	s0 =	rddreg [dreg:$0x14];
	s29 =	simm.s32 @!p3 $0x1DC7;
	p5 =	por @!p3 $0x1, $0x1  }
0xbc: {  	[spmem:s0], [sflag:s29] =	dma.local @!p3 [hbm:s5], $0x2780  }
0xbd: {  	p5 =	por @!p2 p1, p1;
	s6 =	sld [smem:$0x7FA]  }
0xbe: {  	s0 =	simm.s32 @!p5 $0x0  }
0xbf: {  	s0 =	simm.s32 @p5 $0x1  }
0xc0: {  	p0 =	por @!p2 $0x1, $0x1;
	[smem:$0x7EC] =	sst s0;
	p5 =	seq.s32 s6, $0x1  }
0xc1: {  	p4 =	por @!p3 $0x0, $0x0;
	s0 =	rddreg [dreg:$0x15];
	s29 =	simm.s32 @!p5 $0x1D07  }
0xc2: {  	[spmem:s0], [sflag:s29] =	dma.local @!p5 [hbm:s7], $0x2780  }
0xc3: {  	p4 =	por @!p2 p0, p0;
	s29 =	sld [smem:$0x7FB]  }
0xc4: {  	s0 =	simm.s32 @!p4 $0x0  }
0xc5: {  	s0 =	simm.s32 @p4 $0x1;
	s5 =	rddreg [dreg:$0x1e]  }
0xc6: {  	p3 =	por @!p3 $0x0, $0x0;
	[smem:$0x7EF] =	sst s0;
	p6 =	seq.s32 s29, $0x1  }
0xc7: {  	p3 =	por @!p2 p1, p1;
	s0 =	rddreg [dreg:$0x16];
	s29 =	simm.s32 @!p6 $0x1D47  }
0xc8: {  	[spmem:s0], [sflag:s29] =	dma.local @!p6 [hbm:s5], $0x2780  }
0xc9: {  	p2 =	por @!p5 $0x0, $0x0;
	p1 =	por @!p6 $0x0, $0x0;
	s0 =	sld [smem:$0x7F9]  }
0xca: {  	p4 =	por @!p6 $0x1, $0x1;
	p1 =	por @!p5 p2, p2  }
0xcb: {  	p4 =	por @!p5 p2, p2;
	p6 =	por @!p6 $0x0, $0x0;
	p2 =	por @!p5 $0x1, $0x1  }
0xcc: {  	p0 =	por p3, p3;
	p6 =	por @!p5 p2, p2;
	p2 =	seq.s32 s0, $0x1  }
0xcd: {  	p0 =	por @!p2 p4, p4  }
0xce: {  	s0 =	simm.s32 @!p0 $0x0  }
0xcf: {  	s0 =	simm.s32 @p0 $0x1;
	p0 =	por p3, p3  }
0xd0: {  	p0 =	por @!p2 p1, p1  }
0xd1: {  	p4 =	por p3, p3;
	[smem:$0x7ED] =	sst s0;
	s0 =	simm.s32 @!p0 $0x0  }
0xd2: {  	p4 =	por @!p2 p1, p1;
	s0 =	simm.s32 @p0 $0x1  }
0xd3: {  	p0 =	por p3, p3;
	[smem:$0x7E8] =	sst s0;
	s0 =	simm.s32 @!p4 $0x0  }
0xd4: {  	p0 =	por @!p2 p1, p1;
	s0 =	simm.s32 @p4 $0x1  }
0xd5: {  	[smem:$0x7E9] =	sst s0;
	s0 =	simm.s32 @!p0 $0x0  }
0xd6: {  	s30 =	sld [smem:$0x7EC];
	s0 =	simm.s32 @p0 $0x1;
	p0 =	por p3, p3  }
0xd7: {  	p0 =	por @!p2 p1, p1  }
0xd8: {  	[smem:$0x7EA] =	sst s0;
	s0 =	simm.s32 @!p0 $0x0  }
0xd9: {  	s0 =	simm.s32 @p0 $0x1;
	p0 =	seq.s32 s30, $0x1  }
0xda: {  	p0 =	por @!p2 p1, p1  }
0xdb: {  	p4 =	por p3, p3;
	[smem:$0x7EB] =	sst s0;
	s0 =	simm.s32 @!p0 $0x0  }
0xdc: {  	s31 =	sld [smem:$0x7EF];
	p4 =	por @!p2 p1, p1;
	s0 =	simm.s32 @p0 $0x1  }
0xdd: {  	p0 =	por p3, p3;
	[smem:$0x7EC] =	sst s0;
	s0 =	simm.s32 @!p4 $0x0  }
0xde: {  	p0 =	por @!p2 p1, p1;
	s0 =	simm.s32 @p4 $0x1  }
0xdf: {  	p4 =	seq.s32 s31, $0x1;
	[smem:$0x7EE] =	sst s0;
	s0 =	simm.s32 @!p0 $0x0  }
0xe0: {  	p5 =	por p3, p3;
	p4 =	por @!p2 p1, p1;
	s0 =	simm.s32 @p0 $0x1  }
0xe1: {  	p0 =	por p3, p3;
	[smem:$0x7E7] =	sst s0;
	s0 =	simm.s32 @!p4 $0x0  }
0xe2: {  	p0 =	por @!p2 p1, p1;
	s0 =	simm.s32 @p4 $0x1;
	p4 =	por p3, p3  }
.Ltmp5:
0xe3: {  	[smem:$0x7EF] =	sst s0;
	s0 =	simm.s32 @!p0 $0x0;
	(pc) =	sbr.rel .LBB2_8-.Ltmp5, $4  }
0xe4: {  	p5 =	por @!p2 p6, p6;
	p4 =	por @!p2 p1, p1;
	s0 =	simm.s32 @p0 $0x1  }
0xe5: {  	p6 =	por p3, p3;
	[smem:$0x7F0] =	sst s0;
	s0 =	simm.s32 @!p4 $0x0  }
0xe6: {  	p6 =	por @!p2 p1, p1;
	s0 =	simm.s32 @p4 $0x1;
	p4 =	por p3, p3  }
0xe7: {  	p3 =	por @!p2 p1, p1;
	[smem:$0x7F1] =	sst s0;
	p4 =	por @!p2 p1, p1  }
.LBB2_7:
0xe8: {  	p1 =	sgt.s32 s4, $0xD  }
0xe9: {  	p2 =	seq.s32 @p1 s4, $0xE  }
0xea: {  	s0 =	rddreg [dreg:$0x7];
	p0 =	por !p2, !p1  }
0xeb: {  	s29 =	sshrl.u32 @!p0 s0, $0x3;
	s30 =	simm.s32 @!p0 $0x1F87;
	s0 =	rddreg [dreg:$0x8]  }
0xec: {  	[spmem:s29], [sflag:s30] =	dma.local @!p0 [hbm:s0], $0x2780  }
0xed: {  	p2 =	por p2, !p1;
	s0 =	rddreg [dreg:$0x5]  }
0xee: {  	s30 =	simm.s32 @!p2 $0x1FC7;
	s29 =	sshrl.u32 @!p2 s0, $0x3;
	s0 =	rddreg [dreg:$0x6]  }
0xef: {  	[spmem:s29], [sflag:s30] =	dma.local @!p2 [hbm:s0], $0x2080  }
0xf0: {  	p6 =	seq.s32 @!p1 s4, $0xC;
	s0 =	simm.s32 @!p1 $0x0  }
0xf1: {  	p5 =	por !p6, p1;
	p3 =	por @!p2 $0x0, $0x0;
	s0 =	simm.s32 @p1 $0x1  }
0xf2: {  	p4 =	por @!p2 $0x1, $0x1;
	s30 =	simm.s32 @!p5 $0x1F07;
	[smem:$0x7E4] =	sst s0  }
0xf3: {  	p2 =	por p6, p1;
	p6 =	por @!p0 $0x0, $0x0;
	s0 =	rddreg [dreg:$0xb]  }
0xf4: {  	p4 =	por @!p0 p6, p6;
	s29 =	sshrl.u32 @!p5 s0, $0x3;
	s0 =	rddreg [dreg:$0xc]  }
0xf5: {  	[spmem:s29], [sflag:s30] =	dma.local @!p5 [hbm:s0], $0x2780  }
0xf6: {  	s0 =	simm.s32 @!p4 $0x0  }
0xf7: {  	s0 =	simm.s32 @p4 $0x1  }
0xf8: {  	p4 =	por p3, p3;
	[smem:$0x7E8] =	sst s0  }
0xf9: {  	s30 =	simm.s32 @!p2 $0x1F47;
	s0 =	rddreg [dreg:$0x9];
	p4 =	por @!p0 p6, p6  }
0xfa: {  	p6 =	por @!p2 $0x0, $0x0;
	s29 =	sshrl.u32 @!p2 s0, $0x3;
	s0 =	rddreg [dreg:$0xa]  }
0xfb: {  	[spmem:s29], [sflag:s30] =	dma.local @!p2 [hbm:s0], $0x2780  }
0xfc: {  	p1 =	por @!p0 $0x1, $0x1;
	s0 =	simm.s32 @!p6 $0x0  }
0xfd: {  	p3 =	por @!p0 p1, p1;
	p0 =	por @!p2 $0x1, $0x1;
	s0 =	simm.s32 @p6 $0x1  }
0xfe: {  	[smem:$0x7E0] =	sst s0;
	s0 =	simm.s32 @!p0 $0x0  }
0xff: {  	s0 =	simm.s32 @p0 $0x1;
	s5 =	sld [smem:$0x7E0]  }
0x100: {  	[smem:$0x7E1] =	sst s0  }
0x101: {  	s6 =	sld [smem:$0x7E1]  }
0x102: {  	p1 =	seq.s32 s5, $0x1  }
0x103: {  	p6 =	por @!p5 $0x0, $0x0;
	p2 =	por p1, p1  }
0x104: {  	p0 =	por @!p5 $0x0, $0x0;
	p2 =	por @!p5 p6, p6;
	p6 =	seq.s32 s6, $0x1  }
0x105: {  	p6 =	por @!p5 p0, p0  }
0x106: {  	s0 =	simm.s32 @!p6 $0x0  }
0x107: {  	s29 =	sld [smem:$0x7E4];
	s0 =	simm.s32 @p6 $0x1  }
0x108: {  	[smem:$0x7E1] =	sst s0  }
0x109: {  	s0 =	sld [smem:$0x7E1]  }
0x10a: {  	p0 =	por @!p5 $0x1, $0x1  }
0x10b: {  	p1 =	por @!p5 p0, p0;
	p6 =	por p4, p4  }
0x10c: {  	p0 =	por p1, p1;
	p1 =	seq.s32 s29, $0x1;
	p5 =	seq.s32 s0, $0x1  }
0x10d: {  	p6 =	por @!p1 p5, p5  }
0x10e: {  	s0 =	simm.s32 @!p6 $0x0  }
0x10f: {  	s0 =	simm.s32 @p6 $0x1  }
0x110: {  	[smem:$0x7E9] =	sst s0;
	s0 =	simm.s32 @!p4 $0x0  }
0x111: {  	s0 =	simm.s32 @p4 $0x1  }
0x112: {  	[smem:$0x7EA] =	sst s0;
	s0 =	simm.s32 @!p4 $0x0  }
0x113: {  	s0 =	simm.s32 @p4 $0x1  }
0x114: {  	[smem:$0x7EC] =	sst s0;
	s0 =	simm.s32 @!p4 $0x0  }
0x115: {  	s0 =	simm.s32 @p4 $0x1  }
0x116: {  	[smem:$0x7ED] =	sst s0;
	s0 =	simm.s32 @!p4 $0x0  }
0x117: {  	s0 =	simm.s32 @p4 $0x1  }
0x118: {  	[smem:$0x7EE] =	sst s0;
	s0 =	simm.s32 @!p4 $0x0  }
0x119: {  	s0 =	simm.s32 @p4 $0x1  }
0x11a: {  	[smem:$0x7E7] =	sst s0;
	s0 =	simm.s32 @!p4 $0x0  }
0x11b: {  	s0 =	simm.s32 @p4 $0x1  }
0x11c: {  	[smem:$0x7E3] =	sst s0;
	s0 =	simm.s32 @!p4 $0x0  }
0x11d: {  	s30 =	sld [smem:$0x7E8];
	s0 =	simm.s32 @p4 $0x1  }
0x11e: {  	[smem:$0x7E2] =	sst s0;
	s0 =	simm.s32 @!p4 $0x0  }
0x11f: {  	s31 =	sld [smem:$0x7EA];
	s0 =	simm.s32 @p4 $0x1  }
0x120: {  	[smem:$0x7EF] =	sst s0;
	s0 =	simm.s32 @!p4 $0x0  }
0x121: {  	s6 =	sld [smem:$0x7EC];
	s0 =	simm.s32 @p4 $0x1  }
0x122: {  	p6 =	por p4, p4;
	[smem:$0x7F0] =	sst s0;
	s0 =	simm.s32 @!p4 $0x0  }
0x123: {  	s0 =	simm.s32 @p4 $0x1;
	p4 =	por @!p1 p0, p0;
	p0 =	seq.s32 s30, $0x1  }
0x124: {  	p5 =	seq.s32 s31, $0x1;
	s31 =	sld [smem:$0x7EE];
	p0 =	por @!p1 p2, p2  }
0x125: {  	[smem:$0x7F1] =	sst s0;
	s0 =	simm.s32 @!p0 $0x0  }
0x126: {  	p5 =	por @!p1 p2, p2;
	s5 =	sld [smem:$0x7E2];
	s0 =	simm.s32 @p0 $0x1  }
0x127: {  	[smem:$0x7E8] =	sst s0;
	s0 =	simm.s32 @!p5 $0x0  }
0x128: {  	p6 =	por @!p1 p2, p2;
	s30 =	sld [smem:$0x7ED];
	s0 =	simm.s32 @p5 $0x1  }
0x129: {  	[smem:$0x7EA] =	sst s0;
	s0 =	simm.s32 @!p6 $0x0  }
0x12a: {  	s29 =	sld [smem:$0x7E3];
	s0 =	simm.s32 @p6 $0x1;
	p6 =	seq.s32 s6, $0x1  }
0x12b: {  	p5 =	seq.s32 s5, $0x1;
	s5 =	sld [smem:$0x7E4];
	p6 =	por @!p1 p2, p2  }
0x12c: {  	p0 =	seq.s32 s30, $0x1;
	[smem:$0x7EB] =	sst s0;
	s0 =	simm.s32 @!p6 $0x0  }
0x12d: {  	p0 =	por @!p1 p2, p2;
	s6 =	sld [smem:$0x7E7];
	s0 =	simm.s32 @p6 $0x1  }
0x12e: {  	[smem:$0x7EC] =	sst s0;
	s0 =	simm.s32 @!p0 $0x0  }
0x12f: {  	p1 =	seq.s32 s31, $0x1;
	s0 =	simm.s32 @p0 $0x1;
	p0 =	seq.s32 s5, $0x1  }
0x130: {  	p1 =	por @!p0 p2, p2  }
0x131: {  	p6 =	seq.s32 s29, $0x1;
	[smem:$0x7ED] =	sst s0;
	s0 =	simm.s32 @!p1 $0x0  }
0x132: {  	s29 =	sld [smem:$0x7EF];
	s0 =	simm.s32 @p1 $0x1;
	p1 =	seq.s32 s6, $0x1  }
0x133: {  	p1 =	por @!p0 p2, p2  }
0x134: {  	[smem:$0x7EE] =	sst s0;
	s0 =	simm.s32 @!p1 $0x0  }
0x135: {  	s30 =	sld [smem:$0x7F0];
	s0 =	simm.s32 @p1 $0x1;
	p1 =	seq.s32 s29, $0x1  }
0x136: {  	p1 =	por @!p0 p2, p2  }
0x137: {  	[smem:$0x7E7] =	sst s0;
	s0 =	simm.s32 @!p1 $0x0  }
0x138: {  	s31 =	sld [smem:$0x7F1];
	s0 =	simm.s32 @p1 $0x1;
	p1 =	seq.s32 s30, $0x1  }
0x139: {  	p1 =	por @!p0 p2, p2  }
0x13a: {  	[smem:$0x7EF] =	sst s0;
	s0 =	simm.s32 @!p1 $0x0  }
0x13b: {  	s0 =	simm.s32 @p1 $0x1;
	p1 =	seq.s32 s31, $0x1  }
0x13c: {  	p1 =	por @!p0 p2, p2  }
0x13d: {  	[smem:$0x7F0] =	sst s0;
	s0 =	simm.s32 @!p1 $0x0  }
0x13e: {  	p6 =	por @!p0 p2, p2;
	s0 =	simm.s32 @p1 $0x1  }
0x13f: {  	p5 =	por @!p0 p2, p2;
	p3 =	por @!p0 p2, p2;
	[smem:$0x7F1] =	sst s0  }
.LBB2_8:
0x140: {  	[tilespmem:s11], [sflag:$0x8] =	stream.linear.gather [hbm4b:s17+s3], $0x3E80, $0x38;
	[tilespmem:$0x1F080] =	vst v63  }
0x141: {  	_ =	swait.ge [sflag:s12], $0x3E80  }
0x142: {  	[sflag:s12] =	ssyncset.done $0x0  }
0x143: {  	[sflag:s12] =	ssyncadd.s32 $0xFFFFC180  }
0x144: {  	[tilespmem:s14], [sflag:$0x1] =	stream.indirect.gather [hbm4b:s1+s13], $0x80, s11, s13, $0xb8;
	[tilespmem:$0x1F080] =	vst v63  }
0x145: {  	p2 =	sne.s32 s4, $0x0  }
0x146: {  	[tilespmem:s19], [sflag:$0x2] =	stream.indirect.gather [hbm4b:s1+s13], $0x80, s15, s13, $0xb8;
	[tilespmem:$0x1F080] =	vst v63  }
0x147: {  	s29 =	simm.s32 @!p2 $0x7  }
0x148: {  	[tilespmem:s21], [sflag:$0x3] =	stream.indirect.gather [hbm4b:s1+s13], $0x80, s20, s13, $0xb8;
	[tilespmem:$0x1F080] =	vst v63  }
0x149: {  	_ =	swait.ge @!p2 [sflag:s29], $0x2780  }
0x14a: {  	s0 =	sld [smem:$0x7E7];
	_ =	sdelay $0x2  }
0x14b: {  	[sflag:s29] =	ssyncset.done @!p2 $0x0;
	p0 =	seq.s32 s0, $0x1  }
0x14c: {  	[sflag:s29] =	ssyncadd.s32 @!p2 $0xFFFFD880;
	s29 =	simm.s32 @p0 $0x7  }
0x14d: {  	_ =	swait.ge @p0 [sflag:s29], $0x2780  }
0x14e: {  	[sflag:s29] =	ssyncset.done @p0 $0x0  }
0x14f: {  	[sflag:s29] =	ssyncadd.s32 @p0 $0xFFFFD880;
	s29 =	simm.s32 @p6 $0x7  }
0x150: {  	_ =	swait.ge @p6 [sflag:s29], $0x2780  }
0x151: {  	s5 =	sld [smem:$0x7EE];
	_ =	sdelay $0x2  }
0x152: {  	[sflag:s29] =	ssyncset.done @p6 $0x0;
	p0 =	seq.s32 s5, $0x1  }
0x153: {  	[sflag:s29] =	ssyncadd.s32 @p6 $0xFFFFD880;
	s29 =	simm.s32 @p0 $0x7  }
0x154: {  	_ =	swait.ge @p0 [sflag:s29], $0x2780  }
0x155: {  	[sflag:s29] =	ssyncset.done @p0 $0x0  }
0x156: {  	[sflag:s29] =	ssyncadd.s32 @p0 $0xFFFFD880;
	s29 =	simm.s32 @p5 $0x7  }
0x157: {  	_ =	swait.ge @p5 [sflag:s29], $0x2780  }
0x158: {  	s6 =	sld [smem:$0x7ED];
	_ =	sdelay $0x2  }
0x159: {  	[sflag:s29] =	ssyncset.done @p5 $0x0;
	p0 =	seq.s32 s6, $0x1  }
0x15a: {  	[sflag:s29] =	ssyncadd.s32 @p5 $0xFFFFD880;
	s29 =	simm.s32 @p0 $0x7  }
0x15b: {  	_ =	swait.ge @p0 [sflag:s29], $0x2780  }
0x15c: {  	s5 =	sld [smem:$0x7EF];
	_ =	sdelay $0x1  }
0x15d: {  	[sflag:s29] =	ssyncset.done @p0 $0x0  }
0x15e: {  	[sflag:s29] =	ssyncadd.s32 @p0 $0xFFFFD880;
	p0 =	seq.s32 s5, $0x1  }
0x15f: {  	s29 =	simm.s32 @p0 $0x7  }
0x160: {  	_ =	swait.ge @p0 [sflag:s29], $0x2780  }
0x161: {  	s6 =	sld [smem:$0x7EC];
	_ =	sdelay $0x1  }
0x162: {  	[sflag:s29] =	ssyncset.done @p0 $0x0  }
0x163: {  	[sflag:s29] =	ssyncadd.s32 @p0 $0xFFFFD880;
	p0 =	seq.s32 s6, $0x1  }
0x164: {  	s29 =	simm.s32 @p0 $0x7  }
0x165: {  	_ =	swait.ge @p0 [sflag:s29], $0x2780  }
0x166: {  	s5 =	sld [smem:$0x7F0];
	_ =	sdelay $0x1  }
0x167: {  	[sflag:s29] =	ssyncset.done @p0 $0x0  }
0x168: {  	[sflag:s29] =	ssyncadd.s32 @p0 $0xFFFFD880;
	p0 =	seq.s32 s5, $0x1  }
0x169: {  	s29 =	simm.s32 @p0 $0x7  }
0x16a: {  	_ =	swait.ge @p0 [sflag:s29], $0x2780  }
0x16b: {  	s6 =	sld [smem:$0x7EB];
	_ =	sdelay $0x1  }
0x16c: {  	[sflag:s29] =	ssyncset.done @p0 $0x0  }
0x16d: {  	[sflag:s29] =	ssyncadd.s32 @p0 $0xFFFFD880;
	p0 =	seq.s32 s6, $0x1  }
0x16e: {  	s29 =	simm.s32 @p0 $0x7  }
0x16f: {  	_ =	swait.ge @p0 [sflag:s29], $0x2780  }
0x170: {  	s5 =	sld [smem:$0x7F1];
	_ =	sdelay $0x1  }
0x171: {  	[sflag:s29] =	ssyncset.done @p0 $0x0  }
0x172: {  	[sflag:s29] =	ssyncadd.s32 @p0 $0xFFFFD880;
	p0 =	seq.s32 s5, $0x1  }
0x173: {  	s29 =	simm.s32 @p0 $0x7  }
0x174: {  	_ =	swait.ge @p0 [sflag:s29], $0x2780  }
0x175: {  	s6 =	sld [smem:$0x7EA];
	_ =	sdelay $0x1  }
0x176: {  	[sflag:s29] =	ssyncset.done @p0 $0x0  }
0x177: {  	[sflag:s29] =	ssyncadd.s32 @p0 $0xFFFFD880;
	p0 =	seq.s32 s6, $0x1  }
0x178: {  	s29 =	simm.s32 @p0 $0x7  }
0x179: {  	_ =	swait.ge @p0 [sflag:s29], $0x2780  }
0x17a: {  	[sflag:s29] =	ssyncset.done @p0 $0x0  }
0x17b: {  	[sflag:s29] =	ssyncadd.s32 @p0 $0xFFFFD880;
	s29 =	simm.s32 @p4 $0x7  }
0x17c: {  	_ =	swait.ge @p4 [sflag:s29], $0x2780  }
0x17d: {  	s5 =	sld [smem:$0x7E9];
	_ =	sdelay $0x2  }
0x17e: {  	[sflag:s29] =	ssyncset.done @p4 $0x0;
	p0 =	seq.s32 s5, $0x1  }
0x17f: {  	[sflag:s29] =	ssyncadd.s32 @p4 $0xFFFFD880;
	s29 =	simm.s32 @p0 $0x7  }
0x180: {  	_ =	swait.ge @p0 [sflag:s29], $0x2780  }
0x181: {  	[sflag:s29] =	ssyncset.done @p0 $0x0  }
0x182: {  	[sflag:s29] =	ssyncadd.s32 @p0 $0xFFFFD880;
	s29 =	simm.s32 @p3 $0x7  }
0x183: {  	_ =	swait.ge @p3 [sflag:s29], $0x2780  }
0x184: {  	s6 =	sld [smem:$0x7E8];
	_ =	sdelay $0x2  }
0x185: {  	[sflag:s29] =	ssyncset.done @p3 $0x0;
	p0 =	seq.s32 s6, $0x1  }
0x186: {  	[sflag:s29] =	ssyncadd.s32 @p3 $0xFFFFD880;
	s29 =	simm.s32 @p0 $0x7  }
0x187: {  	_ =	swait.ge @p0 [sflag:s29], $0x2080  }
0x188: {  	[sflag:s29] =	ssyncset.done @p0 $0x0  }
0x189: {  	s30 =	simm.s32 $0x13B00;
	[sflag:s29] =	ssyncadd.s32 @p0 $0xFFFFDF80  }
0x18a: {  	s31 =	simm.s32 $0x0;
	s29 =	simm.s32 $0x0;
	[bflag:$0x0] =	sbarrier.arrive $0xFFFF  }
.LBB2_9:
0x18b: {  	_ =	swait.ge [sflag:s22], $0x2800  }
0x18c: {  	[sflag:s22] =	ssyncset.done $0x0  }
0x18d: {  	s0 =	sadd.s32 s29, s16;
	[sflag:s22] =	ssyncadd.s32 $0xFFFFD800  }
0x18e: {  	[hbm4b:s0+s3] =	stream.linear.scatter [tilespmem:s14], [sflag:$0x4], $0x2800, $0x38;
	[tilespmem:$0x1F080] =	vst v63  }
0x18f: {  	_ =	swait.ge [sflag:s23], $0x2800  }
0x190: {  	[sflag:s23] =	ssyncset.done $0x0  }
0x191: {  	p0 =	seq.s32 s29, $0x26700;
	s0 =	sadd.s32 $0x500, s0;
	[sflag:s23] =	ssyncadd.s32 $0xFFFFD800  }
0x192: {  	[hbm4b:s0+s3] =	stream.linear.scatter [tilespmem:s19], [sflag:$0x5], $0x2800, $0x38;
	[tilespmem:$0x1F080] =	vst v63  }
0x193: {  	s0 =	simm.s32 @!p0 $0x3  }
0x194: {  	_ =	swait.ge @!p0 [sflag:s0], $0x2800  }
0x195: {  	[sflag:s0] =	ssyncset.done @!p0 $0x0  }
0x196: {  	[sflag:s0] =	ssyncadd.s32 @!p0 $0xFFFFD800;
	s0 =	sadd.s32 @!p0 s29, s16  }
0x197: {  	s5 =	simm.s32 @!p0 $0x0;
	s6 =	simm.s32 @!p0 $0x1C880;
	s0 =	sadd.s32 @!p0 $0xA00, s0  }
0x198: {  	[hbm4b:s0+s5] =	stream.linear.scatter @!p0 [tilespmem:s6], [sflag:$0x6], $0x2800, $0x38;
	[tilespmem:$0x1F080] =	vst v63  }
0x199: {  	s0 =	simm.s32 @!p0 $0x4  }
0x19a: {  	_ =	swait.ge @!p0 [sflag:s0], $0x2800  }
0x19b: {  	s5 =	simm.s32 @!p0 $0x50;
	[sflag:s0] =	ssyncset.done @!p0 $0x0  }
0x19c: {  	s6 =	simm.s32 @!p0 $0x17880;
	[sflag:s0] =	ssyncadd.s32 @!p0 $0xFFFFD800;
	s0 =	sadd.s32 @!p0 $0xFFFFFF00, s30  }
0x19d: {  	[tilespmem:s6], [sflag:$0x1] =	stream.indirect.gather @!p0 [spmem:s2], $0x80, s0, s5, $0xb8;
	[tilespmem:$0x1F080] =	vst v63  }
0x19e: {  	s0 =	simm.s32 @!p0 $0x5  }
0x19f: {  	p1 =	sgt.u32 @!p0 s31, $0x27;
	_ =	swait.ge @!p0 [sflag:s0], $0x2800  }
0x1a0: {  	p1 =	por p1, p0;
	[sflag:s0] =	ssyncset.done @!p0 $0x0  }
0x1a1: {  	s6 =	simm.s32 @!p0 $0x1A080;
	[sflag:s0] =	ssyncadd.s32 @!p0 $0xFFFFD800;
	s0 =	sadd.s32 @!p0 $0xFFFFFF80, s30  }
0x1a2: {  	[tilespmem:s6], [sflag:$0x2] =	stream.indirect.gather @!p0 [spmem:s2], $0x80, s0, s5, $0xb8;
	[tilespmem:$0x1F080] =	vst v63  }
0x1a3: {  	s0 =	simm.s32 @!p1 $0x6  }
0x1a4: {  	_ =	swait.ge @!p1 [sflag:s0], $0x2800  }
0x1a5: {  	s29 =	sadd.s32 @!p0 $0xF00, s29;
	[sflag:s0] =	ssyncset.done @!p1 $0x0  }
0x1a6: {  	s5 =	simm.s32 @!p1 $0x1C880;
	[sflag:s0] =	ssyncadd.s32 @!p1 $0xFFFFD800;
	s0 =	simm.s32 @!p1 $0x50  }
0x1a7: {  	[tilespmem:s5], [sflag:$0x3] =	stream.indirect.gather @!p1 [spmem:s2], $0x80, s30, s0, $0xb8;
	[tilespmem:$0x1F080] =	vst v63  }
0x1a8: {  	p1 =	sne.s32 @!p0 s29, $0x27600  }
0x1a9: {  	p1 =	por p0, !p1  }
.Ltmp6:
0x1aa: {  	_ = 	snop;
	(pc) =	sbr.rel @!p1 .LBB2_9-.Ltmp6, $2  }
0x1ab: {  	_ =	sdelay $0x2  }
0x1ac: {  	s31 =	sadd.s32 @!p0 $0x1, s31;
	s30 =	sadd.s32 @!p0 $0x180, s30  }
0x1ad: {  	_ =	swait.ge [sflag:s24], $0x2800  }
0x1ae: {  	[sflag:s24] =	ssyncset.done $0x0  }
0x1af: {  	s28 =	sadd.s32 $0x1, s28;
	[sflag:s24] =	ssyncadd.s32 $0xFFFFD800  }
0x1b0: {  	p0 =	sne.s32 s28, s18;
	_ =	swait.ge [sflag:s25], $0x2800  }
.Ltmp7:
0x1b1: {  	[sflag:s25] =	ssyncset.done $0x0;
	(pc) =	sbr.rel @p0 .LBB2_1-.Ltmp7, $4  }
0x1b2: {  	[sflag:s25] =	ssyncadd.s32 $0xFFFFD800  }
0x1b3: {  	_ =	swait.ge [sflag:s26], $0x2800  }
0x1b4: {  	[sflag:s26] =	ssyncset.done $0x0  }
0x1b5: {  	[sflag:s26] =	ssyncadd.s32 $0xFFFFD800  }
0x1b6: {  	_ =	sfence.sel $0x180000  }
0x1b7: {  	[bflag:$0x0] =	sbarrier.arrive $0xFFFF  }
0x1b8: {  	_ =	strace $0x90000047  }
0x1b9: {  	[bflag:$0x2] =	sbarrier.arrive $0xFFFF  }
0x1ba: {  	s0 =	rddreg [dreg:$0x4]  }
0x1bb: {  	s0 =	sadd.s32 @!p2 $0x100000, s0  }
0x1bc: {  	[sflag:s0] =	ssyncadd.tile.s32 @!p2 $0x1;
	_ =	shalt  }
.Lfunc_end2:
_tile_overlayer_lowered:
.L_overlay_start_2:
0x1bd: {  	(tag) =	ssettag $0x2  }
0x1be: {  	s0 =	rddreg [dreg:$0x0];
	s2 =	stileid.u32  }
0x1bf: {  	s1 =	rddreg [dreg:$0x1];
	p0 =	sne.s32 s2, $0x0  }
0x1c0: {  	s3 =	rddreg [dreg:$0x2];
	[bflag:$0x3] =	sbarrier.arrive $0xFFFF;
	s2 =	simm.s32 @!p0 $0x1C08  }
0x1c1: {  	[timem:s3], [sflag:s2] =	dma.local @!p0 [hbm:s0], s1  }
0x1c2: {  	s0 =	simm.s32 @!p0 $0x8  }
0x1c3: {  	_ =	swait.ge @!p0 [sflag:s0], s1  }
0x1c4: {  	s1 =	ssub.s32 @!p0 $0x0, s1;
	[sflag:s0] =	ssyncset.done @!p0 $0x0  }
0x1c5: {  	[sflag:s0] =	ssyncadd.s32 @!p0 s1  }
0x1c6: {  	[bflag:$0x3] =	sbarrier.arrive $0xFFFF  }
0x1c7: {  	_ =	shalt  }

</sc_bundles>
